<compile_context>
chip_gen: v7x
topology: tpu7x:2x2x1
jax: 0.10.2.dev20260603
libtpu: 0.0.44.dev20260713+nightly
codegen_flags: <defaults>
</compile_context>

<pallas_src>
import functools

import jax
import jax.numpy as jnp
from jax import lax
from jax.experimental import pallas as pl
from jax.experimental.pallas import tpu as pltpu
from jax.experimental.pallas import tpu_sc as plsc

_N_EMB = 8192
_DIM = 32
_BETA = 0.25
_N = 16384

_R = 1024
_KC = 512

_NC = 2
_NS = 16
_NW = _NC * _NS
_BPW = _N // _NW
_CHUNK = 128
_NCHUNK = _BPW // _CHUNK


def _argmin_body(x_ref, emb_ref, idx_ref, loss_ref, e2_ref, idsf_ref):
    i = pl.program_id(0)

    @pl.when(i == 0)
    def _prep():
        emb0 = emb_ref[...]
        e2_ref[...] = jnp.sum(emb0 * emb0, axis=0, keepdims=True)
        ids0 = lax.broadcasted_iota(jnp.int32, (1, _N_EMB), 1)
        idsf_ref[...] = ids0.astype(jnp.float32)
        loss_ref[...] = jnp.zeros_like(loss_ref)

    x = x_ref[...]
    sim2 = jnp.dot(x + x, emb_ref[...], preferred_element_type=jnp.float32)
    x2 = jnp.sum(x * x, axis=1, keepdims=True)
    cms = []
    cidxs = []
    for c in range(_N_EMB // _KC):
        lo, hi = c * _KC, (c + 1) * _KC
        sl = pl.ds(lo, _KC)
        dist = (x2 + e2_ref[:, sl]) - sim2[:, lo:hi]
        cm = jnp.min(dist, axis=1, keepdims=True)
        cidxf = jnp.min(
            jnp.where(dist == cm, idsf_ref[:, sl], jnp.float32(_N_EMB)),
            axis=1,
            keepdims=True,
        )
        cms.append(cm)
        cidxs.append(cidxf)
    cms = jnp.concatenate(cms, axis=1)
    cidxs = jnp.concatenate(cidxs, axis=1)
    m = jnp.min(cms, axis=1, keepdims=True)
    idxf = jnp.min(
        jnp.where(cms == m, cidxs, jnp.float32(_N_EMB)), axis=1
    )
    idx_ref[...] = idxf.astype(jnp.int32)
    loss_ref[...] += jnp.sum(m, keepdims=True)


def _argmin_call(flat, embeddings):
    grid = _N // _R
    return pl.pallas_call(
        _argmin_body,
        grid=(grid,),
        in_specs=[
            pl.BlockSpec((_R, _DIM), lambda i: (i, 0)),
            pl.BlockSpec((_DIM, _N_EMB), lambda i: (0, 0)),
        ],
        out_specs=[
            pl.BlockSpec((_R,), lambda i: (i,)),
            pl.BlockSpec((1, 1), lambda i: (0, 0)),
        ],
        out_shape=[
            jax.ShapeDtypeStruct((_N,), jnp.int32),
            jax.ShapeDtypeStruct((1, 1), jnp.float32),
        ],
        scratch_shapes=[
            pltpu.VMEM((1, _N_EMB), jnp.float32),
            pltpu.VMEM((1, _N_EMB), jnp.float32),
        ],
    )(flat, embeddings)


@functools.lru_cache(maxsize=1)
def _sc_gather_kernel():
    mesh = plsc.VectorSubcoreMesh(core_axis_name="c", subcore_axis_name="s")

    @functools.partial(
        pl.kernel,
        mesh=mesh,
        out_type=jax.ShapeDtypeStruct((16, 1024, _DIM), jnp.float32),
        scratch_types=[
            pltpu.VMEM((_NCHUNK, _CHUNK), jnp.int32),
            pltpu.VMEM((_BPW, _DIM), jnp.float32),
            pltpu.SemaphoreType.DMA,
        ],
        compiler_params=pltpu.CompilerParams(use_tc_tiling_on_sc=False),
    )
    def _sc_gather(table_hbm, idx_hbm, out_hbm, idx_v, rows_v, sem):
        wid = lax.axis_index("s") * _NC + lax.axis_index("c")
        base = wid * _BPW
        pltpu.sync_copy(idx_hbm.at[wid], idx_v)
        copies = [
            pltpu.async_copy(
                table_hbm.at[idx_v.at[j]],
                rows_v.at[pl.ds(j * _CHUNK, _CHUNK)],
                sem,
            )
            for j in range(_NCHUNK)
        ]
        for c in copies:
            c.wait()
        pltpu.sync_copy(
            rows_v, out_hbm.at[wid // 2, pl.ds((wid % 2) * _BPW, _BPW)]
        )

    return _sc_gather


def kernel(x, embeddings):
    flat = x.reshape(_N, _DIM)
    idx, loss_sum = _argmin_call(flat, embeddings)
    emb_t = embeddings.T
    out = _sc_gather_kernel()(emb_t, idx.reshape(_NW, _NCHUNK, _CHUNK))
    loss = (_BETA - 1.0) * (loss_sum[0, 0] / jnp.float32(flat.size))
    return out, loss

# --- scband reference (transcript-rebuilt; emitter-appended) ---
"""Pipeline reference for scband-vqlayer-54314156425528 (READ-ONLY COPY).

The authoritative reference and input builder live on the scoring server;
editing this copy changes nothing except your own understanding.
"""

import jax, jax.numpy as jnp
import numpy as np

N_EMB = 8192
DIM = 32
BETA = 0.25


def setup_inputs(seed: int = 0) -> dict:
    key = jax.random.key(seed)
    k1, k2 = jax.random.split(key)
    x = jax.random.normal(k1, (16, 1024, DIM), dtype=jnp.float32)
    # tf.random_uniform_initializer() default: uniform in [-0.05, 0.05]
    embeddings = jax.random.uniform(k2, (DIM, N_EMB), dtype=jnp.float32, minval=-0.05, maxval=0.05)
    return {"x": x, "embeddings": embeddings}


def reference(x, embeddings):
    input_shape = x.shape
    flattened = x.reshape(-1, DIM)
    # get_code_indices
    similarity = flattened @ embeddings  # [N, K]
    distances = (
        jnp.sum(flattened ** 2, axis=1, keepdims=True)
        + jnp.sum(embeddings ** 2, axis=0)
        - 2.0 * similarity
    )
    encoding_indices = jnp.argmin(distances, axis=1)
    encodings = jax.nn.one_hot(encoding_indices, N_EMB, dtype=jnp.float32)
    # matmul(encodings, embeddings, transpose_b=True): [N, K] @ [K, D] -> [N, D]
    quantised = encodings @ embeddings.T
    quantised = quantised.reshape(input_shape)
    commitment_loss = jnp.mean((jax.lax.stop_gradient(quantised) - x) ** 2)
    codebook_loss = jnp.mean((quantised - jax.lax.stop_gradient(x)) ** 2)
    loss = BETA * commitment_loss - codebook_loss  # faithful to source sign
    out = x + jax.lax.stop_gradient(quantised - x)  # straight-through
    return out, loss

if __name__ == "__main__":
    import jax
    _d = setup_inputs()
    print(jax.jit(kernel)(*tuple(_d.values())))

</pallas_src>

<mosaic_0001>
#map = affine_map<(d0, d1) -> (0, 0)>
#map1 = affine_map<(d0, d1) -> (0, 0, 0)>
module attributes {stable_mosaic.version = 14 : i64} {
  func.func @_sc_gather(%arg0: i32, %arg1: i32, %arg2: memref<8192x32xf32, #tpu.memory_space<hbm>>, %arg3: memref<32x4x128xi32, #tpu.memory_space<hbm>>, %arg4: memref<16x1024x32xf32, #tpu.memory_space<hbm>>, %arg5: memref<4x128xi32, #tpu.memory_space<vmem>>, %arg6: memref<512x32xf32, #tpu.memory_space<vmem>>, %arg7: memref<!tpu.dma_semaphore, #tpu.memory_space<semaphore_mem>>) attributes {dimension_semantics = [#tpu.dimension_semantics<core_parallel>, #tpu.dimension_semantics<subcore_parallel>], iteration_bounds = array<i64: 2, 16>, scalar_prefetch = 0 : i64, scratch_operands = 3 : i64, tpu.core_type = #tpu.core_type<sc_vector_subcore>, window_params = [{transform_indices = #map}, {transform_indices = #map1}, {transform_indices = #map1}]} {
    %mul3A = arith.constant 2 : i32
    %mul3A_0 = arith.muli %arg1, %mul3A : i32
    %add3A = arith.addi %mul3A_0, %arg0 : i32
    %mul3A_1 = arith.constant 512 : i32
    %mul3A_2 = arith.muli %add3A, %mul3A_1 : i32
    "tpu.region"() ({
      %run_scoped3A = tpu.sem_alloc : memref<!tpu.dma_semaphore, #tpu.memory_space<semaphore_mem>>
      %dma_start3A_113 = arith.constant 0 : i32
      %dma_start3A_114 = arith.constant 0 : i32
      %dma_start3A_115 = tpu.memref_slice %arg3[%add3A, %dma_start3A_113, %dma_start3A_114] : memref<32x4x128xi32, #tpu.memory_space<hbm>> -> memref<1x4x128xi32, #tpu.memory_space<hbm>>
      %dma_start3A_116 = tpu.memref_squeeze %dma_start3A_115 : memref<1x4x128xi32, #tpu.memory_space<hbm>> -> memref<4x128xi32, #tpu.memory_space<hbm>>
      %dma_start3A_117 = arith.constant 0 : i32
      %dma_start3A_118 = arith.constant 0 : i32
      %dma_start3A_119 = tpu.memref_slice %arg3[%add3A, %dma_start3A_117, %dma_start3A_118] : memref<32x4x128xi32, #tpu.memory_space<hbm>> -> memref<1x4x128xi32, #tpu.memory_space<hbm>>
      %dma_start3A_120 = tpu.memref_squeeze %dma_start3A_119 : memref<1x4x128xi32, #tpu.memory_space<hbm>> -> memref<4x128xi32, #tpu.memory_space<hbm>>
      tpu.enqueue_dma source(%dma_start3A_120 : memref<4x128xi32, #tpu.memory_space<hbm>>) target(%arg5 : memref<4x128xi32, #tpu.memory_space<vmem>>) target_semaphore(%run_scoped3A : memref<!tpu.dma_semaphore, #tpu.memory_space<semaphore_mem>>)
      %dma_wait3A_121 = arith.constant 0 : i32
      %dma_wait3A_122 = arith.constant 0 : i32
      %dma_wait3A_123 = tpu.memref_slice %arg3[%add3A, %dma_wait3A_121, %dma_wait3A_122] : memref<32x4x128xi32, #tpu.memory_space<hbm>> -> memref<1x4x128xi32, #tpu.memory_space<hbm>>
      %dma_wait3A_124 = tpu.memref_squeeze %dma_wait3A_123 : memref<1x4x128xi32, #tpu.memory_space<hbm>> -> memref<4x128xi32, #tpu.memory_space<hbm>>
      %dma_wait3A_125 = arith.constant 0 : i32
      %dma_wait3A_126 = arith.constant 0 : i32
      %dma_wait3A_127 = tpu.memref_slice %arg3[%add3A, %dma_wait3A_125, %dma_wait3A_126] : memref<32x4x128xi32, #tpu.memory_space<hbm>> -> memref<1x4x128xi32, #tpu.memory_space<hbm>>
      %dma_wait3A_128 = tpu.memref_squeeze %dma_wait3A_127 : memref<1x4x128xi32, #tpu.memory_space<hbm>> -> memref<4x128xi32, #tpu.memory_space<hbm>>
      tpu.wait_dma2 semaphore(%run_scoped3A : memref<!tpu.dma_semaphore, #tpu.memory_space<semaphore_mem>>) src(%dma_wait3A_128 : memref<4x128xi32, #tpu.memory_space<hbm>>) dst(%arg5 : memref<4x128xi32, #tpu.memory_space<vmem>>)
      tpu.yield
    }) : () -> ()
    %dma_start3A = arith.constant 0 : i32
    %dma_start3A_3 = arith.constant 0 : i32
    %dma_start3A_4 = arith.constant 0 : i32
    %dma_start3A_5 = tpu.memref_slice %arg6[%dma_start3A_3, %dma_start3A_4] : memref<512x32xf32, #tpu.memory_space<vmem>> -> memref<128x32xf32, #tpu.memory_space<vmem>>
    %dma_start3A_6 = arith.constant 0 : i32
    %dma_start3A_7 = tpu.memref_slice %arg5[%dma_start3A, %dma_start3A_6] : memref<4x128xi32, #tpu.memory_space<vmem>> -> memref<1x128xi32, #tpu.memory_space<vmem>>
    %dma_start3A_8 = tpu.memref_squeeze %dma_start3A_7 : memref<1x128xi32, #tpu.memory_space<vmem>> -> memref<128xi32, #tpu.memory_space<vmem>>
    %dma_start3A_9 = arith.constant 0 : i32
    %dma_start3A_10 = arith.constant 0 : i32
    %dma_start3A_11 = tpu.memref_slice %arg2[%dma_start3A_9, %dma_start3A_10] : memref<8192x32xf32, #tpu.memory_space<hbm>> -> memref<8192x32xf32, #tpu.memory_space<hbm>>
    tpu.enqueue_indirect_dma source(%dma_start3A_11 : memref<8192x32xf32, #tpu.memory_space<hbm>>) target(%dma_start3A_5 : memref<128x32xf32, #tpu.memory_space<vmem>>) offsets(%dma_start3A_8 : memref<128xi32, #tpu.memory_space<vmem>>) semaphore(%arg7 : memref<!tpu.dma_semaphore, #tpu.memory_space<semaphore_mem>>)
    %dma_start3A_12 = arith.constant 1 : i32
    %dma_start3A_13 = arith.constant 128 : i32
    %dma_start3A_14 = arith.constant 0 : i32
    %dma_start3A_15 = tpu.memref_slice %arg6[%dma_start3A_13, %dma_start3A_14] : memref<512x32xf32, #tpu.memory_space<vmem>> -> memref<128x32xf32, #tpu.memory_space<vmem>>
    %dma_start3A_16 = arith.constant 0 : i32
    %dma_start3A_17 = tpu.memref_slice %arg5[%dma_start3A_12, %dma_start3A_16] : memref<4x128xi32, #tpu.memory_space<vmem>> -> memref<1x128xi32, #tpu.memory_space<vmem>>
    %dma_start3A_18 = tpu.memref_squeeze %dma_start3A_17 : memref<1x128xi32, #tpu.memory_space<vmem>> -> memref<128xi32, #tpu.memory_space<vmem>>
    %dma_start3A_19 = arith.constant 0 : i32
    %dma_start3A_20 = arith.constant 0 : i32
    %dma_start3A_21 = tpu.memref_slice %arg2[%dma_start3A_19, %dma_start3A_20] : memref<8192x32xf32, #tpu.memory_space<hbm>> -> memref<8192x32xf32, #tpu.memory_space<hbm>>
    tpu.enqueue_indirect_dma source(%dma_start3A_21 : memref<8192x32xf32, #tpu.memory_space<hbm>>) target(%dma_start3A_15 : memref<128x32xf32, #tpu.memory_space<vmem>>) offsets(%dma_start3A_18 : memref<128xi32, #tpu.memory_space<vmem>>) semaphore(%arg7 : memref<!tpu.dma_semaphore, #tpu.memory_space<semaphore_mem>>)
    %dma_start3A_22 = arith.constant 2 : i32
    %dma_start3A_23 = arith.constant 256 : i32
    %dma_start3A_24 = arith.constant 0 : i32
    %dma_start3A_25 = tpu.memref_slice %arg6[%dma_start3A_23, %dma_start3A_24] : memref<512x32xf32, #tpu.memory_space<vmem>> -> memref<128x32xf32, #tpu.memory_space<vmem>>
    %dma_start3A_26 = arith.constant 0 : i32
    %dma_start3A_27 = tpu.memref_slice %arg5[%dma_start3A_22, %dma_start3A_26] : memref<4x128xi32, #tpu.memory_space<vmem>> -> memref<1x128xi32, #tpu.memory_space<vmem>>
    %dma_start3A_28 = tpu.memref_squeeze %dma_start3A_27 : memref<1x128xi32, #tpu.memory_space<vmem>> -> memref<128xi32, #tpu.memory_space<vmem>>
    %dma_start3A_29 = arith.constant 0 : i32
    %dma_start3A_30 = arith.constant 0 : i32
    %dma_start3A_31 = tpu.memref_slice %arg2[%dma_start3A_29, %dma_start3A_30] : memref<8192x32xf32, #tpu.memory_space<hbm>> -> memref<8192x32xf32, #tpu.memory_space<hbm>>
    tpu.enqueue_indirect_dma source(%dma_start3A_31 : memref<8192x32xf32, #tpu.memory_space<hbm>>) target(%dma_start3A_25 : memref<128x32xf32, #tpu.memory_space<vmem>>) offsets(%dma_start3A_28 : memref<128xi32, #tpu.memory_space<vmem>>) semaphore(%arg7 : memref<!tpu.dma_semaphore, #tpu.memory_space<semaphore_mem>>)
    %dma_start3A_32 = arith.constant 3 : i32
    %dma_start3A_33 = arith.constant 384 : i32
    %dma_start3A_34 = arith.constant 0 : i32
    %dma_start3A_35 = tpu.memref_slice %arg6[%dma_start3A_33, %dma_start3A_34] : memref<512x32xf32, #tpu.memory_space<vmem>> -> memref<128x32xf32, #tpu.memory_space<vmem>>
    %dma_start3A_36 = arith.constant 0 : i32
    %dma_start3A_37 = tpu.memref_slice %arg5[%dma_start3A_32, %dma_start3A_36] : memref<4x128xi32, #tpu.memory_space<vmem>> -> memref<1x128xi32, #tpu.memory_space<vmem>>
    %dma_start3A_38 = tpu.memref_squeeze %dma_start3A_37 : memref<1x128xi32, #tpu.memory_space<vmem>> -> memref<128xi32, #tpu.memory_space<vmem>>
    %dma_start3A_39 = arith.constant 0 : i32
    %dma_start3A_40 = arith.constant 0 : i32
    %dma_start3A_41 = tpu.memref_slice %arg2[%dma_start3A_39, %dma_start3A_40] : memref<8192x32xf32, #tpu.memory_space<hbm>> -> memref<8192x32xf32, #tpu.memory_space<hbm>>
    tpu.enqueue_indirect_dma source(%dma_start3A_41 : memref<8192x32xf32, #tpu.memory_space<hbm>>) target(%dma_start3A_35 : memref<128x32xf32, #tpu.memory_space<vmem>>) offsets(%dma_start3A_38 : memref<128xi32, #tpu.memory_space<vmem>>) semaphore(%arg7 : memref<!tpu.dma_semaphore, #tpu.memory_space<semaphore_mem>>)
    %dma_wait3A = arith.constant 0 : i32
    %dma_wait3A_42 = arith.constant 0 : i32
    %dma_wait3A_43 = arith.constant 0 : i32
    %dma_wait3A_44 = tpu.memref_slice %arg6[%dma_wait3A_42, %dma_wait3A_43] : memref<512x32xf32, #tpu.memory_space<vmem>> -> memref<128x32xf32, #tpu.memory_space<vmem>>
    %dma_wait3A_45 = arith.constant 0 : i32
    %dma_wait3A_46 = tpu.memref_slice %arg5[%dma_wait3A, %dma_wait3A_45] : memref<4x128xi32, #tpu.memory_space<vmem>> -> memref<1x128xi32, #tpu.memory_space<vmem>>
    %dma_wait3A_47 = tpu.memref_squeeze %dma_wait3A_46 : memref<1x128xi32, #tpu.memory_space<vmem>> -> memref<128xi32, #tpu.memory_space<vmem>>
    %dma_wait3A_48 = arith.constant 0 : i32
    %dma_wait3A_49 = arith.constant 0 : i32
    %dma_wait3A_50 = tpu.memref_slice %arg2[%dma_wait3A_48, %dma_wait3A_49] : memref<8192x32xf32, #tpu.memory_space<hbm>> -> memref<8192x32xf32, #tpu.memory_space<hbm>>
    tpu.wait_indirect_dma semaphore(%arg7 : memref<!tpu.dma_semaphore, #tpu.memory_space<semaphore_mem>>) src(%dma_wait3A_50 : memref<8192x32xf32, #tpu.memory_space<hbm>>) dst(%dma_wait3A_44 : memref<128x32xf32, #tpu.memory_space<vmem>>)
    %dma_wait3A_51 = arith.constant 1 : i32
    %dma_wait3A_52 = arith.constant 128 : i32
    %dma_wait3A_53 = arith.constant 0 : i32
    %dma_wait3A_54 = tpu.memref_slice %arg6[%dma_wait3A_52, %dma_wait3A_53] : memref<512x32xf32, #tpu.memory_space<vmem>> -> memref<128x32xf32, #tpu.memory_space<vmem>>
    %dma_wait3A_55 = arith.constant 0 : i32
    %dma_wait3A_56 = tpu.memref_slice %arg5[%dma_wait3A_51, %dma_wait3A_55] : memref<4x128xi32, #tpu.memory_space<vmem>> -> memref<1x128xi32, #tpu.memory_space<vmem>>
    %dma_wait3A_57 = tpu.memref_squeeze %dma_wait3A_56 : memref<1x128xi32, #tpu.memory_space<vmem>> -> memref<128xi32, #tpu.memory_space<vmem>>
    %dma_wait3A_58 = arith.constant 0 : i32
    %dma_wait3A_59 = arith.constant 0 : i32
    %dma_wait3A_60 = tpu.memref_slice %arg2[%dma_wait3A_58, %dma_wait3A_59] : memref<8192x32xf32, #tpu.memory_space<hbm>> -> memref<8192x32xf32, #tpu.memory_space<hbm>>
    tpu.wait_indirect_dma semaphore(%arg7 : memref<!tpu.dma_semaphore, #tpu.memory_space<semaphore_mem>>) src(%dma_wait3A_60 : memref<8192x32xf32, #tpu.memory_space<hbm>>) dst(%dma_wait3A_54 : memref<128x32xf32, #tpu.memory_space<vmem>>)
    %dma_wait3A_61 = arith.constant 2 : i32
    %dma_wait3A_62 = arith.constant 256 : i32
    %dma_wait3A_63 = arith.constant 0 : i32
    %dma_wait3A_64 = tpu.memref_slice %arg6[%dma_wait3A_62, %dma_wait3A_63] : memref<512x32xf32, #tpu.memory_space<vmem>> -> memref<128x32xf32, #tpu.memory_space<vmem>>
    %dma_wait3A_65 = arith.constant 0 : i32
    %dma_wait3A_66 = tpu.memref_slice %arg5[%dma_wait3A_61, %dma_wait3A_65] : memref<4x128xi32, #tpu.memory_space<vmem>> -> memref<1x128xi32, #tpu.memory_space<vmem>>
    %dma_wait3A_67 = tpu.memref_squeeze %dma_wait3A_66 : memref<1x128xi32, #tpu.memory_space<vmem>> -> memref<128xi32, #tpu.memory_space<vmem>>
    %dma_wait3A_68 = arith.constant 0 : i32
    %dma_wait3A_69 = arith.constant 0 : i32
    %dma_wait3A_70 = tpu.memref_slice %arg2[%dma_wait3A_68, %dma_wait3A_69] : memref<8192x32xf32, #tpu.memory_space<hbm>> -> memref<8192x32xf32, #tpu.memory_space<hbm>>
    tpu.wait_indirect_dma semaphore(%arg7 : memref<!tpu.dma_semaphore, #tpu.memory_space<semaphore_mem>>) src(%dma_wait3A_70 : memref<8192x32xf32, #tpu.memory_space<hbm>>) dst(%dma_wait3A_64 : memref<128x32xf32, #tpu.memory_space<vmem>>)
    %dma_wait3A_71 = arith.constant 3 : i32
    %dma_wait3A_72 = arith.constant 384 : i32
    %dma_wait3A_73 = arith.constant 0 : i32
    %dma_wait3A_74 = tpu.memref_slice %arg6[%dma_wait3A_72, %dma_wait3A_73] : memref<512x32xf32, #tpu.memory_space<vmem>> -> memref<128x32xf32, #tpu.memory_space<vmem>>
    %dma_wait3A_75 = arith.constant 0 : i32
    %dma_wait3A_76 = tpu.memref_slice %arg5[%dma_wait3A_71, %dma_wait3A_75] : memref<4x128xi32, #tpu.memory_space<vmem>> -> memref<1x128xi32, #tpu.memory_space<vmem>>
    %dma_wait3A_77 = tpu.memref_squeeze %dma_wait3A_76 : memref<1x128xi32, #tpu.memory_space<vmem>> -> memref<128xi32, #tpu.memory_space<vmem>>
    %dma_wait3A_78 = arith.constant 0 : i32
    %dma_wait3A_79 = arith.constant 0 : i32
    %dma_wait3A_80 = tpu.memref_slice %arg2[%dma_wait3A_78, %dma_wait3A_79] : memref<8192x32xf32, #tpu.memory_space<hbm>> -> memref<8192x32xf32, #tpu.memory_space<hbm>>
    tpu.wait_indirect_dma semaphore(%arg7 : memref<!tpu.dma_semaphore, #tpu.memory_space<semaphore_mem>>) src(%dma_wait3A_80 : memref<8192x32xf32, #tpu.memory_space<hbm>>) dst(%dma_wait3A_74 : memref<128x32xf32, #tpu.memory_space<vmem>>)
    %jit3A = arith.constant 2 : i32
    %div3A = arith.divsi %add3A, %jit3A : i32
    %sign3A = arith.constant 0 : i32
    %sign3A_81 = arith.cmpi sgt, %add3A, %sign3A : i32
    %sign3A_82 = arith.extui %sign3A_81 : i1 to i32
    %sign3A_83 = arith.constant 0 : i32
    %sign3A_84 = arith.cmpi slt, %add3A, %sign3A_83 : i32
    %sign3A_85 = arith.extui %sign3A_84 : i1 to i32
    %sign3A_86 = arith.subi %sign3A_82, %sign3A_85 : i32
    %sign3A_87 = arith.constant 0 : i32
    %sign3A_88 = arith.cmpi sgt, %jit3A, %sign3A_87 : i32
    %sign3A_89 = arith.extui %sign3A_88 : i1 to i32
    %sign3A_90 = arith.constant 0 : i32
    %sign3A_91 = arith.cmpi slt, %jit3A, %sign3A_90 : i32
    %sign3A_92 = arith.extui %sign3A_91 : i1 to i32
    %sign3A_93 = arith.subi %sign3A_89, %sign3A_92 : i32
    %ne3A = arith.cmpi ne, %sign3A_86, %sign3A_93 : i32
    %rem3A = arith.remsi %add3A, %jit3A : i32
    %ne3A_94 = arith.constant 0 : i32
    %ne3A_95 = arith.cmpi ne, %rem3A, %ne3A_94 : i32
    %and3A = arith.andi %ne3A, %ne3A_95 : i1
    %sub3A = arith.constant 1 : i32
    %sub3A_96 = arith.subi %div3A, %sub3A : i32
    %select_n3A = arith.select %and3A, %sub3A_96, %div3A : i32
    %jit3A_97 = arith.constant 2 : i32
    %eq3A = arith.constant 0 : i32
    %eq3A_98 = arith.cmpi eq, %jit3A_97, %eq3A : i32
    %jit3A_99 = arith.constant 1 : i32
    %select_n3A_100 = arith.select %eq3A_98, %jit3A_99, %jit3A_97 : i32
    %rem3A_101 = arith.remsi %add3A, %select_n3A_100 : i32
    %ne3A_102 = arith.constant 0 : i32
    %ne3A_103 = arith.cmpi ne, %rem3A_101, %ne3A_102 : i32
    %lt3A = arith.constant 0 : i32
    %lt3A_104 = arith.cmpi slt, %rem3A_101, %lt3A : i32
    %lt3A_105 = arith.constant 0 : i32
    %lt3A_106 = arith.cmpi slt, %select_n3A_100, %lt3A_105 : i32
    %ne3A_107 = arith.xori %lt3A_104, %lt3A_106 : i1
    %and3A_108 = arith.andi %ne3A_107, %ne3A_103 : i1
    %add3A_109 = arith.addi %rem3A_101, %select_n3A_100 : i32
    %select_n3A_110 = arith.select %and3A_108, %add3A_109, %rem3A_101 : i32
    %mul3A_111 = arith.constant 512 : i32
    %mul3A_112 = arith.muli %select_n3A_110, %mul3A_111 : i32
    "tpu.region"() ({
      %run_scoped3A = tpu.sem_alloc : memref<!tpu.dma_semaphore, #tpu.memory_space<semaphore_mem>>
      %dma_start3A_113 = arith.constant 0 : i32
      %dma_start3A_114 = tpu.memref_slice %arg4[%select_n3A, %mul3A_112, %dma_start3A_113] : memref<16x1024x32xf32, #tpu.memory_space<hbm>> -> memref<1x512x32xf32, #tpu.memory_space<hbm>>
      %dma_start3A_115 = tpu.memref_squeeze %dma_start3A_114 : memref<1x512x32xf32, #tpu.memory_space<hbm>> -> memref<512x32xf32, #tpu.memory_space<hbm>>
      %dma_start3A_116 = arith.constant 0 : i32
      %dma_start3A_117 = tpu.memref_slice %arg4[%select_n3A, %mul3A_112, %dma_start3A_116] : memref<16x1024x32xf32, #tpu.memory_space<hbm>> -> memref<1x512x32xf32, #tpu.memory_space<hbm>>
      %dma_start3A_118 = tpu.memref_squeeze %dma_start3A_117 : memref<1x512x32xf32, #tpu.memory_space<hbm>> -> memref<512x32xf32, #tpu.memory_space<hbm>>
      tpu.enqueue_dma source(%arg6 : memref<512x32xf32, #tpu.memory_space<vmem>>) target(%dma_start3A_118 : memref<512x32xf32, #tpu.memory_space<hbm>>) target_semaphore(%run_scoped3A : memref<!tpu.dma_semaphore, #tpu.memory_space<semaphore_mem>>)
      %dma_wait3A_119 = arith.constant 0 : i32
      %dma_wait3A_120 = tpu.memref_slice %arg4[%select_n3A, %mul3A_112, %dma_wait3A_119] : memref<16x1024x32xf32, #tpu.memory_space<hbm>> -> memref<1x512x32xf32, #tpu.memory_space<hbm>>
      %dma_wait3A_121 = tpu.memref_squeeze %dma_wait3A_120 : memref<1x512x32xf32, #tpu.memory_space<hbm>> -> memref<512x32xf32, #tpu.memory_space<hbm>>
      %dma_wait3A_122 = arith.constant 0 : i32
      %dma_wait3A_123 = tpu.memref_slice %arg4[%select_n3A, %mul3A_112, %dma_wait3A_122] : memref<16x1024x32xf32, #tpu.memory_space<hbm>> -> memref<1x512x32xf32, #tpu.memory_space<hbm>>
      %dma_wait3A_124 = tpu.memref_squeeze %dma_wait3A_123 : memref<1x512x32xf32, #tpu.memory_space<hbm>> -> memref<512x32xf32, #tpu.memory_space<hbm>>
      tpu.wait_dma2 semaphore(%run_scoped3A : memref<!tpu.dma_semaphore, #tpu.memory_space<semaphore_mem>>) src(%arg6 : memref<512x32xf32, #tpu.memory_space<vmem>>) dst(%dma_wait3A_124 : memref<512x32xf32, #tpu.memory_space<hbm>>)
      tpu.yield
    }) : () -> ()
    return
  }
}

module attributes {stable_mosaic.version = 14 : i64} {
  func.func @_argmin_body(%arg0: i32, %arg1: memref<1024x32xf32, #tpu.memory_space<vmem>>, %arg2: memref<32x8192xf32, #tpu.memory_space<vmem>>, %arg3: memref<1024xi32, #tpu.memory_space<vmem>>, %arg4: memref<1x1xf32, #tpu.memory_space<vmem>>, %arg5: memref<1x8192xf32, #tpu.memory_space<vmem>>, %arg6: memref<1x8192xf32, #tpu.memory_space<vmem>>) attributes {dimension_semantics = [#tpu.dimension_semantics<arbitrary>], iteration_bounds = array<i64: 16>, scalar_prefetch = 0 : i64, scratch_operands = 2 : i64, tpu.core_type = #tpu.core_type<tc>, window_params = [{transform_indices = @transform_0, window_bounds = array<i64: 1024, 32>}, {pipeline_mode = #tpu.pipeline_mode<synchronous>, transform_indices = @transform_1, window_bounds = array<i64: 32, 8192>}, {transform_indices = @transform_2, window_bounds = array<i64: 1024>}, {pipeline_mode = #tpu.pipeline_mode<synchronous>, transform_indices = @transform_3, window_bounds = array<i64: 1, 1>}]} {
    %eq3A = arith.constant 0 : i32
    %eq3A_0 = arith.cmpi eq, %arg0, %eq3A : i32
    %convert_element_type3A = arith.extui %eq3A_0 : i1 to i32
    %cond3A = arith.constant 0 : i32
    %cond3A_1 = arith.cmpi ne, %convert_element_type3A, %cond3A : i32
    scf.if %cond3A_1 {
      %get3A_414 = arith.constant 0 : index
      %get3A_415 = arith.constant 0 : index
      %get3A_416 = vector.load %arg2[%get3A_414, %get3A_415] : memref<32x8192xf32, #tpu.memory_space<vmem>>, vector<32x8192xf32>
      %mul3A_417 = arith.mulf %get3A_416, %get3A_416 : vector<32x8192xf32>
      %reduce_sum3A_418 = arith.constant dense<0.000000e+00> : vector<8192xf32>
      %reduce_sum3A_419 = vector.multi_reduction <add>, %mul3A_417, %reduce_sum3A_418 [0] : vector<32x8192xf32> to vector<8192xf32>
      %broadcast_in_dim3A_420 = vector.shape_cast %reduce_sum3A_419 : vector<8192xf32> to vector<1x8192xf32>
      %swap3A_421 = arith.constant 0 : index
      %swap3A_422 = arith.constant 0 : index
      %swap3A_423 = vector.load %arg5[%swap3A_421, %swap3A_422] : memref<1x8192xf32, #tpu.memory_space<vmem>>, vector<1x8192xf32>
      tpu.vector_store %arg5[%swap3A_421, %swap3A_422], %broadcast_in_dim3A_420 {strides = array<i32>} : memref<1x8192xf32, #tpu.memory_space<vmem>>, vector<1x8192xf32>,
      %iota3A = tpu.iota {dimensions = array<i32: 1>} : vector<1x8192xi32>
      %convert_element_type3A_424 = arith.sitofp %iota3A : vector<1x8192xi32> to vector<1x8192xf32>
      %swap3A_425 = arith.constant 0 : index
      %swap3A_426 = arith.constant 0 : index
      %swap3A_427 = vector.load %arg6[%swap3A_425, %swap3A_426] : memref<1x8192xf32, #tpu.memory_space<vmem>>, vector<1x8192xf32>
      tpu.vector_store %arg6[%swap3A_425, %swap3A_426], %convert_element_type3A_424 {strides = array<i32>} : memref<1x8192xf32, #tpu.memory_space<vmem>>, vector<1x8192xf32>,
      %broadcast_in_dim3A_428 = arith.constant 0.000000e+00 : f32
      %broadcast_in_dim3A_429 = vector.broadcast %broadcast_in_dim3A_428 : f32 to vector<1x1xf32>
      %swap3A_430 = arith.constant 0 : index
      %swap3A_431 = arith.constant 0 : index
      %swap3A_432 = vector.load %arg4[%swap3A_430, %swap3A_431] : memref<1x1xf32, #tpu.memory_space<vmem>>, vector<1x1xf32>
      tpu.vector_store %arg4[%swap3A_430, %swap3A_431], %broadcast_in_dim3A_429 {strides = array<i32>} : memref<1x1xf32, #tpu.memory_space<vmem>>, vector<1x1xf32>,
    } else {
    }
    %get3A = arith.constant 0 : index
    %get3A_2 = arith.constant 0 : index
    %get3A_3 = vector.load %arg1[%get3A, %get3A_2] : memref<1024x32xf32, #tpu.memory_space<vmem>>, vector<1024x32xf32>
    %add3A = arith.addf %get3A_3, %get3A_3 : vector<1024x32xf32>
    %get3A_4 = arith.constant 0 : index
    %get3A_5 = arith.constant 0 : index
    %get3A_6 = vector.load %arg2[%get3A_4, %get3A_5] : memref<32x8192xf32, #tpu.memory_space<vmem>>, vector<32x8192xf32>
    %dot_general3A = arith.constant dense<0.000000e+00> : vector<1024x8192xf32>
    %dot_general3A_7 = tpu.matmul %add3A, %get3A_6, %dot_general3A {dimension_numbers = #tpu.dot_dimension_numbers<[1], [0], [0], [1], [0, 0, 1, 1], [], []>, transpose_lhs_hint = false} : vector<1024x32xf32>, vector<32x8192xf32>, vector<1024x8192xf32> -> vector<1024x8192xf32>
    %mul3A = arith.mulf %get3A_3, %get3A_3 : vector<1024x32xf32>
    %reduce_sum3A = arith.constant dense<0.000000e+00> : vector<1024xf32>
    %reduce_sum3A_8 = vector.multi_reduction <add>, %mul3A, %reduce_sum3A [1] : vector<1024x32xf32> to vector<1024xf32>
    %broadcast_in_dim3A = vector.shape_cast %reduce_sum3A_8 : vector<1024xf32> to vector<1024x1xf32>
    %get3A_9 = arith.constant 0 : index
    %get3A_10 = arith.constant 0 : index
    %get3A_11 = vector.load %arg5[%get3A_9, %get3A_10] : memref<1x8192xf32, #tpu.memory_space<vmem>>, vector<1x512xf32>
    %add3A_12 = vector.broadcast %broadcast_in_dim3A : vector<1024x1xf32> to vector<1024x512xf32>
    %add3A_13 = vector.broadcast %get3A_11 : vector<1x512xf32> to vector<1024x512xf32>
    %add3A_14 = arith.addf %add3A_12, %add3A_13 : vector<1024x512xf32>
    %slice3A = vector.extract_strided_slice %dot_general3A_7 {offsets = [0, 0], sizes = [1024, 512], strides = [1, 1]} : vector<1024x8192xf32> to vector<1024x512xf32>
    %sub3A = arith.subf %add3A_14, %slice3A : vector<1024x512xf32>
    %reduce_min3A = arith.constant dense<0x7F800000> : vector<1024xf32>
    %reduce_min3A_15 = vector.multi_reduction <minimumf>, %sub3A, %reduce_min3A [1] : vector<1024x512xf32> to vector<1024xf32>
    %broadcast_in_dim3A_16 = vector.shape_cast %reduce_min3A_15 : vector<1024xf32> to vector<1024x1xf32>
    %eq3A_17 = vector.broadcast %broadcast_in_dim3A_16 : vector<1024x1xf32> to vector<1024x512xf32>
    %eq3A_18 = arith.cmpf oeq, %sub3A, %eq3A_17 : vector<1024x512xf32>
    %get3A_19 = arith.constant 0 : index
    %get3A_20 = arith.constant 0 : index
    %get3A_21 = vector.load %arg6[%get3A_19, %get3A_20] : memref<1x8192xf32, #tpu.memory_space<vmem>>, vector<1x512xf32>
    %jit3A = arith.constant 8.192000e+03 : f32
    %broadcast_in_dim3A_22 = vector.shape_cast %get3A_21 : vector<1x512xf32> to vector<1x512xf32>
    %broadcast_in_dim3A_23 = vector.broadcast %broadcast_in_dim3A_22 : vector<1x512xf32> to vector<1024x512xf32>
    %broadcast_in_dim3A_24 = vector.broadcast %jit3A : f32 to vector<1024x512xf32>
    %select_n3A = arith.select %eq3A_18, %broadcast_in_dim3A_23, %broadcast_in_dim3A_24 : vector<1024x512xi1>, vector<1024x512xf32>
    %reduce_min3A_25 = arith.constant dense<0x7F800000> : vector<1024xf32>
    %reduce_min3A_26 = vector.multi_reduction <minimumf>, %select_n3A, %reduce_min3A_25 [1] : vector<1024x512xf32> to vector<1024xf32>
    %broadcast_in_dim3A_27 = vector.shape_cast %reduce_min3A_26 : vector<1024xf32> to vector<1024x1xf32>
    %get3A_28 = arith.constant 0 : index
    %get3A_29 = arith.constant 512 : index
    %get3A_30 = vector.load %arg5[%get3A_28, %get3A_29] : memref<1x8192xf32, #tpu.memory_space<vmem>>, vector<1x512xf32>
    %add3A_31 = vector.broadcast %broadcast_in_dim3A : vector<1024x1xf32> to vector<1024x512xf32>
    %add3A_32 = vector.broadcast %get3A_30 : vector<1x512xf32> to vector<1024x512xf32>
    %add3A_33 = arith.addf %add3A_31, %add3A_32 : vector<1024x512xf32>
    %slice3A_34 = vector.extract_strided_slice %dot_general3A_7 {offsets = [0, 512], sizes = [1024, 512], strides = [1, 1]} : vector<1024x8192xf32> to vector<1024x512xf32>
    %sub3A_35 = arith.subf %add3A_33, %slice3A_34 : vector<1024x512xf32>
    %reduce_min3A_36 = arith.constant dense<0x7F800000> : vector<1024xf32>
    %reduce_min3A_37 = vector.multi_reduction <minimumf>, %sub3A_35, %reduce_min3A_36 [1] : vector<1024x512xf32> to vector<1024xf32>
    %broadcast_in_dim3A_38 = vector.shape_cast %reduce_min3A_37 : vector<1024xf32> to vector<1024x1xf32>
    %eq3A_39 = vector.broadcast %broadcast_in_dim3A_38 : vector<1024x1xf32> to vector<1024x512xf32>
    %eq3A_40 = arith.cmpf oeq, %sub3A_35, %eq3A_39 : vector<1024x512xf32>
    %get3A_41 = arith.constant 0 : index
    %get3A_42 = arith.constant 512 : index
    %get3A_43 = vector.load %arg6[%get3A_41, %get3A_42] : memref<1x8192xf32, #tpu.memory_space<vmem>>, vector<1x512xf32>
    %jit3A_44 = arith.constant 8.192000e+03 : f32
    %broadcast_in_dim3A_45 = vector.shape_cast %get3A_43 : vector<1x512xf32> to vector<1x512xf32>
    %broadcast_in_dim3A_46 = vector.broadcast %broadcast_in_dim3A_45 : vector<1x512xf32> to vector<1024x512xf32>
    %broadcast_in_dim3A_47 = vector.broadcast %jit3A_44 : f32 to vector<1024x512xf32>
    %select_n3A_48 = arith.select %eq3A_40, %broadcast_in_dim3A_46, %broadcast_in_dim3A_47 : vector<1024x512xi1>, vector<1024x512xf32>
    %reduce_min3A_49 = arith.constant dense<0x7F800000> : vector<1024xf32>
    %reduce_min3A_50 = vector.multi_reduction <minimumf>, %select_n3A_48, %reduce_min3A_49 [1] : vector<1024x512xf32> to vector<1024xf32>
    %broadcast_in_dim3A_51 = vector.shape_cast %reduce_min3A_50 : vector<1024xf32> to vector<1024x1xf32>
    %get3A_52 = arith.constant 0 : index
    %get3A_53 = arith.constant 1024 : index
    %get3A_54 = vector.load %arg5[%get3A_52, %get3A_53] : memref<1x8192xf32, #tpu.memory_space<vmem>>, vector<1x512xf32>
    %add3A_55 = vector.broadcast %broadcast_in_dim3A : vector<1024x1xf32> to vector<1024x512xf32>
    %add3A_56 = vector.broadcast %get3A_54 : vector<1x512xf32> to vector<1024x512xf32>
    %add3A_57 = arith.addf %add3A_55, %add3A_56 : vector<1024x512xf32>
    %slice3A_58 = vector.extract_strided_slice %dot_general3A_7 {offsets = [0, 1024], sizes = [1024, 512], strides = [1, 1]} : vector<1024x8192xf32> to vector<1024x512xf32>
    %sub3A_59 = arith.subf %add3A_57, %slice3A_58 : vector<1024x512xf32>
    %reduce_min3A_60 = arith.constant dense<0x7F800000> : vector<1024xf32>
    %reduce_min3A_61 = vector.multi_reduction <minimumf>, %sub3A_59, %reduce_min3A_60 [1] : vector<1024x512xf32> to vector<1024xf32>
    %broadcast_in_dim3A_62 = vector.shape_cast %reduce_min3A_61 : vector<1024xf32> to vector<1024x1xf32>
    %eq3A_63 = vector.broadcast %broadcast_in_dim3A_62 : vector<1024x1xf32> to vector<1024x512xf32>
    %eq3A_64 = arith.cmpf oeq, %sub3A_59, %eq3A_63 : vector<1024x512xf32>
    %get3A_65 = arith.constant 0 : index
    %get3A_66 = arith.constant 1024 : index
    %get3A_67 = vector.load %arg6[%get3A_65, %get3A_66] : memref<1x8192xf32, #tpu.memory_space<vmem>>, vector<1x512xf32>
    %jit3A_68 = arith.constant 8.192000e+03 : f32
    %broadcast_in_dim3A_69 = vector.shape_cast %get3A_67 : vector<1x512xf32> to vector<1x512xf32>
    %broadcast_in_dim3A_70 = vector.broadcast %broadcast_in_dim3A_69 : vector<1x512xf32> to vector<1024x512xf32>
    %broadcast_in_dim3A_71 = vector.broadcast %jit3A_68 : f32 to vector<1024x512xf32>
    %select_n3A_72 = arith.select %eq3A_64, %broadcast_in_dim3A_70, %broadcast_in_dim3A_71 : vector<1024x512xi1>, vector<1024x512xf32>
    %reduce_min3A_73 = arith.constant dense<0x7F800000> : vector<1024xf32>
    %reduce_min3A_74 = vector.multi_reduction <minimumf>, %select_n3A_72, %reduce_min3A_73 [1] : vector<1024x512xf32> to vector<1024xf32>
    %broadcast_in_dim3A_75 = vector.shape_cast %reduce_min3A_74 : vector<1024xf32> to vector<1024x1xf32>
    %get3A_76 = arith.constant 0 : index
    %get3A_77 = arith.constant 1536 : index
    %get3A_78 = vector.load %arg5[%get3A_76, %get3A_77] : memref<1x8192xf32, #tpu.memory_space<vmem>>, vector<1x512xf32>
    %add3A_79 = vector.broadcast %broadcast_in_dim3A : vector<1024x1xf32> to vector<1024x512xf32>
    %add3A_80 = vector.broadcast %get3A_78 : vector<1x512xf32> to vector<1024x512xf32>
    %add3A_81 = arith.addf %add3A_79, %add3A_80 : vector<1024x512xf32>
    %slice3A_82 = vector.extract_strided_slice %dot_general3A_7 {offsets = [0, 1536], sizes = [1024, 512], strides = [1, 1]} : vector<1024x8192xf32> to vector<1024x512xf32>
    %sub3A_83 = arith.subf %add3A_81, %slice3A_82 : vector<1024x512xf32>
    %reduce_min3A_84 = arith.constant dense<0x7F800000> : vector<1024xf32>
    %reduce_min3A_85 = vector.multi_reduction <minimumf>, %sub3A_83, %reduce_min3A_84 [1] : vector<1024x512xf32> to vector<1024xf32>
    %broadcast_in_dim3A_86 = vector.shape_cast %reduce_min3A_85 : vector<1024xf32> to vector<1024x1xf32>
    %eq3A_87 = vector.broadcast %broadcast_in_dim3A_86 : vector<1024x1xf32> to vector<1024x512xf32>
    %eq3A_88 = arith.cmpf oeq, %sub3A_83, %eq3A_87 : vector<1024x512xf32>
    %get3A_89 = arith.constant 0 : index
    %get3A_90 = arith.constant 1536 : index
    %get3A_91 = vector.load %arg6[%get3A_89, %get3A_90] : memref<1x8192xf32, #tpu.memory_space<vmem>>, vector<1x512xf32>
    %jit3A_92 = arith.constant 8.192000e+03 : f32
    %broadcast_in_dim3A_93 = vector.shape_cast %get3A_91 : vector<1x512xf32> to vector<1x512xf32>
    %broadcast_in_dim3A_94 = vector.broadcast %broadcast_in_dim3A_93 : vector<1x512xf32> to vector<1024x512xf32>
    %broadcast_in_dim3A_95 = vector.broadcast %jit3A_92 : f32 to vector<1024x512xf32>
    %select_n3A_96 = arith.select %eq3A_88, %broadcast_in_dim3A_94, %broadcast_in_dim3A_95 : vector<1024x512xi1>, vector<1024x512xf32>
    %reduce_min3A_97 = arith.constant dense<0x7F800000> : vector<1024xf32>
    %reduce_min3A_98 = vector.multi_reduction <minimumf>, %select_n3A_96, %reduce_min3A_97 [1] : vector<1024x512xf32> to vector<1024xf32>
    %broadcast_in_dim3A_99 = vector.shape_cast %reduce_min3A_98 : vector<1024xf32> to vector<1024x1xf32>
    %get3A_100 = arith.constant 0 : index
    %get3A_101 = arith.constant 2048 : index
    %get3A_102 = vector.load %arg5[%get3A_100, %get3A_101] : memref<1x8192xf32, #tpu.memory_space<vmem>>, vector<1x512xf32>
    %add3A_103 = vector.broadcast %broadcast_in_dim3A : vector<1024x1xf32> to vector<1024x512xf32>
    %add3A_104 = vector.broadcast %get3A_102 : vector<1x512xf32> to vector<1024x512xf32>
    %add3A_105 = arith.addf %add3A_103, %add3A_104 : vector<1024x512xf32>
    %slice3A_106 = vector.extract_strided_slice %dot_general3A_7 {offsets = [0, 2048], sizes = [1024, 512], strides = [1, 1]} : vector<1024x8192xf32> to vector<1024x512xf32>
    %sub3A_107 = arith.subf %add3A_105, %slice3A_106 : vector<1024x512xf32>
    %reduce_min3A_108 = arith.constant dense<0x7F800000> : vector<1024xf32>
    %reduce_min3A_109 = vector.multi_reduction <minimumf>, %sub3A_107, %reduce_min3A_108 [1] : vector<1024x512xf32> to vector<1024xf32>
    %broadcast_in_dim3A_110 = vector.shape_cast %reduce_min3A_109 : vector<1024xf32> to vector<1024x1xf32>
    %eq3A_111 = vector.broadcast %broadcast_in_dim3A_110 : vector<1024x1xf32> to vector<1024x512xf32>
    %eq3A_112 = arith.cmpf oeq, %sub3A_107, %eq3A_111 : vector<1024x512xf32>
    %get3A_113 = arith.constant 0 : index
    %get3A_114 = arith.constant 2048 : index
    %get3A_115 = vector.load %arg6[%get3A_113, %get3A_114] : memref<1x8192xf32, #tpu.memory_space<vmem>>, vector<1x512xf32>
    %jit3A_116 = arith.constant 8.192000e+03 : f32
    %broadcast_in_dim3A_117 = vector.shape_cast %get3A_115 : vector<1x512xf32> to vector<1x512xf32>
    %broadcast_in_dim3A_118 = vector.broadcast %broadcast_in_dim3A_117 : vector<1x512xf32> to vector<1024x512xf32>
    %broadcast_in_dim3A_119 = vector.broadcast %jit3A_116 : f32 to vector<1024x512xf32>
    %select_n3A_120 = arith.select %eq3A_112, %broadcast_in_dim3A_118, %broadcast_in_dim3A_119 : vector<1024x512xi1>, vector<1024x512xf32>
    %reduce_min3A_121 = arith.constant dense<0x7F800000> : vector<1024xf32>
    %reduce_min3A_122 = vector.multi_reduction <minimumf>, %select_n3A_120, %reduce_min3A_121 [1] : vector<1024x512xf32> to vector<1024xf32>
    %broadcast_in_dim3A_123 = vector.shape_cast %reduce_min3A_122 : vector<1024xf32> to vector<1024x1xf32>
    %get3A_124 = arith.constant 0 : index
    %get3A_125 = arith.constant 2560 : index
    %get3A_126 = vector.load %arg5[%get3A_124, %get3A_125] : memref<1x8192xf32, #tpu.memory_space<vmem>>, vector<1x512xf32>
    %add3A_127 = vector.broadcast %broadcast_in_dim3A : vector<1024x1xf32> to vector<1024x512xf32>
    %add3A_128 = vector.broadcast %get3A_126 : vector<1x512xf32> to vector<1024x512xf32>
    %add3A_129 = arith.addf %add3A_127, %add3A_128 : vector<1024x512xf32>
    %slice3A_130 = vector.extract_strided_slice %dot_general3A_7 {offsets = [0, 2560], sizes = [1024, 512], strides = [1, 1]} : vector<1024x8192xf32> to vector<1024x512xf32>
    %sub3A_131 = arith.subf %add3A_129, %slice3A_130 : vector<1024x512xf32>
    %reduce_min3A_132 = arith.constant dense<0x7F800000> : vector<1024xf32>
    %reduce_min3A_133 = vector.multi_reduction <minimumf>, %sub3A_131, %reduce_min3A_132 [1] : vector<1024x512xf32> to vector<1024xf32>
    %broadcast_in_dim3A_134 = vector.shape_cast %reduce_min3A_133 : vector<1024xf32> to vector<1024x1xf32>
    %eq3A_135 = vector.broadcast %broadcast_in_dim3A_134 : vector<1024x1xf32> to vector<1024x512xf32>
    %eq3A_136 = arith.cmpf oeq, %sub3A_131, %eq3A_135 : vector<1024x512xf32>
    %get3A_137 = arith.constant 0 : index
    %get3A_138 = arith.constant 2560 : index
    %get3A_139 = vector.load %arg6[%get3A_137, %get3A_138] : memref<1x8192xf32, #tpu.memory_space<vmem>>, vector<1x512xf32>
    %jit3A_140 = arith.constant 8.192000e+03 : f32
    %broadcast_in_dim3A_141 = vector.shape_cast %get3A_139 : vector<1x512xf32> to vector<1x512xf32>
    %broadcast_in_dim3A_142 = vector.broadcast %broadcast_in_dim3A_141 : vector<1x512xf32> to vector<1024x512xf32>
    %broadcast_in_dim3A_143 = vector.broadcast %jit3A_140 : f32 to vector<1024x512xf32>
    %select_n3A_144 = arith.select %eq3A_136, %broadcast_in_dim3A_142, %broadcast_in_dim3A_143 : vector<1024x512xi1>, vector<1024x512xf32>
    %reduce_min3A_145 = arith.constant dense<0x7F800000> : vector<1024xf32>
    %reduce_min3A_146 = vector.multi_reduction <minimumf>, %select_n3A_144, %reduce_min3A_145 [1] : vector<1024x512xf32> to vector<1024xf32>
    %broadcast_in_dim3A_147 = vector.shape_cast %reduce_min3A_146 : vector<1024xf32> to vector<1024x1xf32>
    %get3A_148 = arith.constant 0 : index
    %get3A_149 = arith.constant 3072 : index
    %get3A_150 = vector.load %arg5[%get3A_148, %get3A_149] : memref<1x8192xf32, #tpu.memory_space<vmem>>, vector<1x512xf32>
    %add3A_151 = vector.broadcast %broadcast_in_dim3A : vector<1024x1xf32> to vector<1024x512xf32>
    %add3A_152 = vector.broadcast %get3A_150 : vector<1x512xf32> to vector<1024x512xf32>
    %add3A_153 = arith.addf %add3A_151, %add3A_152 : vector<1024x512xf32>
    %slice3A_154 = vector.extract_strided_slice %dot_general3A_7 {offsets = [0, 3072], sizes = [1024, 512], strides = [1, 1]} : vector<1024x8192xf32> to vector<1024x512xf32>
    %sub3A_155 = arith.subf %add3A_153, %slice3A_154 : vector<1024x512xf32>
    %reduce_min3A_156 = arith.constant dense<0x7F800000> : vector<1024xf32>
    %reduce_min3A_157 = vector.multi_reduction <minimumf>, %sub3A_155, %reduce_min3A_156 [1] : vector<1024x512xf32> to vector<1024xf32>
    %broadcast_in_dim3A_158 = vector.shape_cast %reduce_min3A_157 : vector<1024xf32> to vector<1024x1xf32>
    %eq3A_159 = vector.broadcast %broadcast_in_dim3A_158 : vector<1024x1xf32> to vector<1024x512xf32>
    %eq3A_160 = arith.cmpf oeq, %sub3A_155, %eq3A_159 : vector<1024x512xf32>
    %get3A_161 = arith.constant 0 : index
    %get3A_162 = arith.constant 3072 : index
    %get3A_163 = vector.load %arg6[%get3A_161, %get3A_162] : memref<1x8192xf32, #tpu.memory_space<vmem>>, vector<1x512xf32>
    %jit3A_164 = arith.constant 8.192000e+03 : f32
    %broadcast_in_dim3A_165 = vector.shape_cast %get3A_163 : vector<1x512xf32> to vector<1x512xf32>
    %broadcast_in_dim3A_166 = vector.broadcast %broadcast_in_dim3A_165 : vector<1x512xf32> to vector<1024x512xf32>
    %broadcast_in_dim3A_167 = vector.broadcast %jit3A_164 : f32 to vector<1024x512xf32>
    %select_n3A_168 = arith.select %eq3A_160, %broadcast_in_dim3A_166, %broadcast_in_dim3A_167 : vector<1024x512xi1>, vector<1024x512xf32>
    %reduce_min3A_169 = arith.constant dense<0x7F800000> : vector<1024xf32>
    %reduce_min3A_170 = vector.multi_reduction <minimumf>, %select_n3A_168, %reduce_min3A_169 [1] : vector<1024x512xf32> to vector<1024xf32>
    %broadcast_in_dim3A_171 = vector.shape_cast %reduce_min3A_170 : vector<1024xf32> to vector<1024x1xf32>
    %get3A_172 = arith.constant 0 : index
    %get3A_173 = arith.constant 3584 : index
    %get3A_174 = vector.load %arg5[%get3A_172, %get3A_173] : memref<1x8192xf32, #tpu.memory_space<vmem>>, vector<1x512xf32>
    %add3A_175 = vector.broadcast %broadcast_in_dim3A : vector<1024x1xf32> to vector<1024x512xf32>
    %add3A_176 = vector.broadcast %get3A_174 : vector<1x512xf32> to vector<1024x512xf32>
    %add3A_177 = arith.addf %add3A_175, %add3A_176 : vector<1024x512xf32>
    %slice3A_178 = vector.extract_strided_slice %dot_general3A_7 {offsets = [0, 3584], sizes = [1024, 512], strides = [1, 1]} : vector<1024x8192xf32> to vector<1024x512xf32>
    %sub3A_179 = arith.subf %add3A_177, %slice3A_178 : vector<1024x512xf32>
    %reduce_min3A_180 = arith.constant dense<0x7F800000> : vector<1024xf32>
    %reduce_min3A_181 = vector.multi_reduction <minimumf>, %sub3A_179, %reduce_min3A_180 [1] : vector<1024x512xf32> to vector<1024xf32>
    %broadcast_in_dim3A_182 = vector.shape_cast %reduce_min3A_181 : vector<1024xf32> to vector<1024x1xf32>
    %eq3A_183 = vector.broadcast %broadcast_in_dim3A_182 : vector<1024x1xf32> to vector<1024x512xf32>
    %eq3A_184 = arith.cmpf oeq, %sub3A_179, %eq3A_183 : vector<1024x512xf32>
    %get3A_185 = arith.constant 0 : index
    %get3A_186 = arith.constant 3584 : index
    %get3A_187 = vector.load %arg6[%get3A_185, %get3A_186] : memref<1x8192xf32, #tpu.memory_space<vmem>>, vector<1x512xf32>
    %jit3A_188 = arith.constant 8.192000e+03 : f32
    %broadcast_in_dim3A_189 = vector.shape_cast %get3A_187 : vector<1x512xf32> to vector<1x512xf32>
    %broadcast_in_dim3A_190 = vector.broadcast %broadcast_in_dim3A_189 : vector<1x512xf32> to vector<1024x512xf32>
    %broadcast_in_dim3A_191 = vector.broadcast %jit3A_188 : f32 to vector<1024x512xf32>
    %select_n3A_192 = arith.select %eq3A_184, %broadcast_in_dim3A_190, %broadcast_in_dim3A_191 : vector<1024x512xi1>, vector<1024x512xf32>
    %reduce_min3A_193 = arith.constant dense<0x7F800000> : vector<1024xf32>
    %reduce_min3A_194 = vector.multi_reduction <minimumf>, %select_n3A_192, %reduce_min3A_193 [1] : vector<1024x512xf32> to vector<1024xf32>
    %broadcast_in_dim3A_195 = vector.shape_cast %reduce_min3A_194 : vector<1024xf32> to vector<1024x1xf32>
    %get3A_196 = arith.constant 0 : index
    %get3A_197 = arith.constant 4096 : index
    %get3A_198 = vector.load %arg5[%get3A_196, %get3A_197] : memref<1x8192xf32, #tpu.memory_space<vmem>>, vector<1x512xf32>
    %add3A_199 = vector.broadcast %broadcast_in_dim3A : vector<1024x1xf32> to vector<1024x512xf32>
    %add3A_200 = vector.broadcast %get3A_198 : vector<1x512xf32> to vector<1024x512xf32>
    %add3A_201 = arith.addf %add3A_199, %add3A_200 : vector<1024x512xf32>
    %slice3A_202 = vector.extract_strided_slice %dot_general3A_7 {offsets = [0, 4096], sizes = [1024, 512], strides = [1, 1]} : vector<1024x8192xf32> to vector<1024x512xf32>
    %sub3A_203 = arith.subf %add3A_201, %slice3A_202 : vector<1024x512xf32>
    %reduce_min3A_204 = arith.constant dense<0x7F800000> : vector<1024xf32>
    %reduce_min3A_205 = vector.multi_reduction <minimumf>, %sub3A_203, %reduce_min3A_204 [1] : vector<1024x512xf32> to vector<1024xf32>
    %broadcast_in_dim3A_206 = vector.shape_cast %reduce_min3A_205 : vector<1024xf32> to vector<1024x1xf32>
    %eq3A_207 = vector.broadcast %broadcast_in_dim3A_206 : vector<1024x1xf32> to vector<1024x512xf32>
    %eq3A_208 = arith.cmpf oeq, %sub3A_203, %eq3A_207 : vector<1024x512xf32>
    %get3A_209 = arith.constant 0 : index
    %get3A_210 = arith.constant 4096 : index
    %get3A_211 = vector.load %arg6[%get3A_209, %get3A_210] : memref<1x8192xf32, #tpu.memory_space<vmem>>, vector<1x512xf32>
    %jit3A_212 = arith.constant 8.192000e+03 : f32
    %broadcast_in_dim3A_213 = vector.shape_cast %get3A_211 : vector<1x512xf32> to vector<1x512xf32>
    %broadcast_in_dim3A_214 = vector.broadcast %broadcast_in_dim3A_213 : vector<1x512xf32> to vector<1024x512xf32>
    %broadcast_in_dim3A_215 = vector.broadcast %jit3A_212 : f32 to vector<1024x512xf32>
    %select_n3A_216 = arith.select %eq3A_208, %broadcast_in_dim3A_214, %broadcast_in_dim3A_215 : vector<1024x512xi1>, vector<1024x512xf32>
    %reduce_min3A_217 = arith.constant dense<0x7F800000> : vector<1024xf32>
    %reduce_min3A_218 = vector.multi_reduction <minimumf>, %select_n3A_216, %reduce_min3A_217 [1] : vector<1024x512xf32> to vector<1024xf32>
    %broadcast_in_dim3A_219 = vector.shape_cast %reduce_min3A_218 : vector<1024xf32> to vector<1024x1xf32>
    %get3A_220 = arith.constant 0 : index
    %get3A_221 = arith.constant 4608 : index
    %get3A_222 = vector.load %arg5[%get3A_220, %get3A_221] : memref<1x8192xf32, #tpu.memory_space<vmem>>, vector<1x512xf32>
    %add3A_223 = vector.broadcast %broadcast_in_dim3A : vector<1024x1xf32> to vector<1024x512xf32>
    %add3A_224 = vector.broadcast %get3A_222 : vector<1x512xf32> to vector<1024x512xf32>
    %add3A_225 = arith.addf %add3A_223, %add3A_224 : vector<1024x512xf32>
    %slice3A_226 = vector.extract_strided_slice %dot_general3A_7 {offsets = [0, 4608], sizes = [1024, 512], strides = [1, 1]} : vector<1024x8192xf32> to vector<1024x512xf32>
    %sub3A_227 = arith.subf %add3A_225, %slice3A_226 : vector<1024x512xf32>
    %reduce_min3A_228 = arith.constant dense<0x7F800000> : vector<1024xf32>
    %reduce_min3A_229 = vector.multi_reduction <minimumf>, %sub3A_227, %reduce_min3A_228 [1] : vector<1024x512xf32> to vector<1024xf32>
    %broadcast_in_dim3A_230 = vector.shape_cast %reduce_min3A_229 : vector<1024xf32> to vector<1024x1xf32>
    %eq3A_231 = vector.broadcast %broadcast_in_dim3A_230 : vector<1024x1xf32> to vector<1024x512xf32>
    %eq3A_232 = arith.cmpf oeq, %sub3A_227, %eq3A_231 : vector<1024x512xf32>
    %get3A_233 = arith.constant 0 : index
    %get3A_234 = arith.constant 4608 : index
    %get3A_235 = vector.load %arg6[%get3A_233, %get3A_234] : memref<1x8192xf32, #tpu.memory_space<vmem>>, vector<1x512xf32>
    %jit3A_236 = arith.constant 8.192000e+03 : f32
    %broadcast_in_dim3A_237 = vector.shape_cast %get3A_235 : vector<1x512xf32> to vector<1x512xf32>
    %broadcast_in_dim3A_238 = vector.broadcast %broadcast_in_dim3A_237 : vector<1x512xf32> to vector<1024x512xf32>
    %broadcast_in_dim3A_239 = vector.broadcast %jit3A_236 : f32 to vector<1024x512xf32>
    %select_n3A_240 = arith.select %eq3A_232, %broadcast_in_dim3A_238, %broadcast_in_dim3A_239 : vector<1024x512xi1>, vector<1024x512xf32>
    %reduce_min3A_241 = arith.constant dense<0x7F800000> : vector<1024xf32>
    %reduce_min3A_242 = vector.multi_reduction <minimumf>, %select_n3A_240, %reduce_min3A_241 [1] : vector<1024x512xf32> to vector<1024xf32>
    %broadcast_in_dim3A_243 = vector.shape_cast %reduce_min3A_242 : vector<1024xf32> to vector<1024x1xf32>
    %get3A_244 = arith.constant 0 : index
    %get3A_245 = arith.constant 5120 : index
    %get3A_246 = vector.load %arg5[%get3A_244, %get3A_245] : memref<1x8192xf32, #tpu.memory_space<vmem>>, vector<1x512xf32>
    %add3A_247 = vector.broadcast %broadcast_in_dim3A : vector<1024x1xf32> to vector<1024x512xf32>
    %add3A_248 = vector.broadcast %get3A_246 : vector<1x512xf32> to vector<1024x512xf32>
    %add3A_249 = arith.addf %add3A_247, %add3A_248 : vector<1024x512xf32>
    %slice3A_250 = vector.extract_strided_slice %dot_general3A_7 {offsets = [0, 5120], sizes = [1024, 512], strides = [1, 1]} : vector<1024x8192xf32> to vector<1024x512xf32>
    %sub3A_251 = arith.subf %add3A_249, %slice3A_250 : vector<1024x512xf32>
    %reduce_min3A_252 = arith.constant dense<0x7F800000> : vector<1024xf32>
    %reduce_min3A_253 = vector.multi_reduction <minimumf>, %sub3A_251, %reduce_min3A_252 [1] : vector<1024x512xf32> to vector<1024xf32>
    %broadcast_in_dim3A_254 = vector.shape_cast %reduce_min3A_253 : vector<1024xf32> to vector<1024x1xf32>
    %eq3A_255 = vector.broadcast %broadcast_in_dim3A_254 : vector<1024x1xf32> to vector<1024x512xf32>
    %eq3A_256 = arith.cmpf oeq, %sub3A_251, %eq3A_255 : vector<1024x512xf32>
    %get3A_257 = arith.constant 0 : index
    %get3A_258 = arith.constant 5120 : index
    %get3A_259 = vector.load %arg6[%get3A_257, %get3A_258] : memref<1x8192xf32, #tpu.memory_space<vmem>>, vector<1x512xf32>
    %jit3A_260 = arith.constant 8.192000e+03 : f32
    %broadcast_in_dim3A_261 = vector.shape_cast %get3A_259 : vector<1x512xf32> to vector<1x512xf32>
    %broadcast_in_dim3A_262 = vector.broadcast %broadcast_in_dim3A_261 : vector<1x512xf32> to vector<1024x512xf32>
    %broadcast_in_dim3A_263 = vector.broadcast %jit3A_260 : f32 to vector<1024x512xf32>
    %select_n3A_264 = arith.select %eq3A_256, %broadcast_in_dim3A_262, %broadcast_in_dim3A_263 : vector<1024x512xi1>, vector<1024x512xf32>
    %reduce_min3A_265 = arith.constant dense<0x7F800000> : vector<1024xf32>
    %reduce_min3A_266 = vector.multi_reduction <minimumf>, %select_n3A_264, %reduce_min3A_265 [1] : vector<1024x512xf32> to vector<1024xf32>
    %broadcast_in_dim3A_267 = vector.shape_cast %reduce_min3A_266 : vector<1024xf32> to vector<1024x1xf32>
    %get3A_268 = arith.constant 0 : index
    %get3A_269 = arith.constant 5632 : index
    %get3A_270 = vector.load %arg5[%get3A_268, %get3A_269] : memref<1x8192xf32, #tpu.memory_space<vmem>>, vector<1x512xf32>
    %add3A_271 = vector.broadcast %broadcast_in_dim3A : vector<1024x1xf32> to vector<1024x512xf32>
    %add3A_272 = vector.broadcast %get3A_270 : vector<1x512xf32> to vector<1024x512xf32>
    %add3A_273 = arith.addf %add3A_271, %add3A_272 : vector<1024x512xf32>
    %slice3A_274 = vector.extract_strided_slice %dot_general3A_7 {offsets = [0, 5632], sizes = [1024, 512], strides = [1, 1]} : vector<1024x8192xf32> to vector<1024x512xf32>
    %sub3A_275 = arith.subf %add3A_273, %slice3A_274 : vector<1024x512xf32>
    %reduce_min3A_276 = arith.constant dense<0x7F800000> : vector<1024xf32>
    %reduce_min3A_277 = vector.multi_reduction <minimumf>, %sub3A_275, %reduce_min3A_276 [1] : vector<1024x512xf32> to vector<1024xf32>
    %broadcast_in_dim3A_278 = vector.shape_cast %reduce_min3A_277 : vector<1024xf32> to vector<1024x1xf32>
    %eq3A_279 = vector.broadcast %broadcast_in_dim3A_278 : vector<1024x1xf32> to vector<1024x512xf32>
    %eq3A_280 = arith.cmpf oeq, %sub3A_275, %eq3A_279 : vector<1024x512xf32>
    %get3A_281 = arith.constant 0 : index
    %get3A_282 = arith.constant 5632 : index
    %get3A_283 = vector.load %arg6[%get3A_281, %get3A_282] : memref<1x8192xf32, #tpu.memory_space<vmem>>, vector<1x512xf32>
    %jit3A_284 = arith.constant 8.192000e+03 : f32
    %broadcast_in_dim3A_285 = vector.shape_cast %get3A_283 : vector<1x512xf32> to vector<1x512xf32>
    %broadcast_in_dim3A_286 = vector.broadcast %broadcast_in_dim3A_285 : vector<1x512xf32> to vector<1024x512xf32>
    %broadcast_in_dim3A_287 = vector.broadcast %jit3A_284 : f32 to vector<1024x512xf32>
    %select_n3A_288 = arith.select %eq3A_280, %broadcast_in_dim3A_286, %broadcast_in_dim3A_287 : vector<1024x512xi1>, vector<1024x512xf32>
    %reduce_min3A_289 = arith.constant dense<0x7F800000> : vector<1024xf32>
    %reduce_min3A_290 = vector.multi_reduction <minimumf>, %select_n3A_288, %reduce_min3A_289 [1] : vector<1024x512xf32> to vector<1024xf32>
    %broadcast_in_dim3A_291 = vector.shape_cast %reduce_min3A_290 : vector<1024xf32> to vector<1024x1xf32>
    %get3A_292 = arith.constant 0 : index
    %get3A_293 = arith.constant 6144 : index
    %get3A_294 = vector.load %arg5[%get3A_292, %get3A_293] : memref<1x8192xf32, #tpu.memory_space<vmem>>, vector<1x512xf32>
    %add3A_295 = vector.broadcast %broadcast_in_dim3A : vector<1024x1xf32> to vector<1024x512xf32>
    %add3A_296 = vector.broadcast %get3A_294 : vector<1x512xf32> to vector<1024x512xf32>
    %add3A_297 = arith.addf %add3A_295, %add3A_296 : vector<1024x512xf32>
    %slice3A_298 = vector.extract_strided_slice %dot_general3A_7 {offsets = [0, 6144], sizes = [1024, 512], strides = [1, 1]} : vector<1024x8192xf32> to vector<1024x512xf32>
    %sub3A_299 = arith.subf %add3A_297, %slice3A_298 : vector<1024x512xf32>
    %reduce_min3A_300 = arith.constant dense<0x7F800000> : vector<1024xf32>
    %reduce_min3A_301 = vector.multi_reduction <minimumf>, %sub3A_299, %reduce_min3A_300 [1] : vector<1024x512xf32> to vector<1024xf32>
    %broadcast_in_dim3A_302 = vector.shape_cast %reduce_min3A_301 : vector<1024xf32> to vector<1024x1xf32>
    %eq3A_303 = vector.broadcast %broadcast_in_dim3A_302 : vector<1024x1xf32> to vector<1024x512xf32>
    %eq3A_304 = arith.cmpf oeq, %sub3A_299, %eq3A_303 : vector<1024x512xf32>
    %get3A_305 = arith.constant 0 : index
    %get3A_306 = arith.constant 6144 : index
    %get3A_307 = vector.load %arg6[%get3A_305, %get3A_306] : memref<1x8192xf32, #tpu.memory_space<vmem>>, vector<1x512xf32>
    %jit3A_308 = arith.constant 8.192000e+03 : f32
    %broadcast_in_dim3A_309 = vector.shape_cast %get3A_307 : vector<1x512xf32> to vector<1x512xf32>
    %broadcast_in_dim3A_310 = vector.broadcast %broadcast_in_dim3A_309 : vector<1x512xf32> to vector<1024x512xf32>
    %broadcast_in_dim3A_311 = vector.broadcast %jit3A_308 : f32 to vector<1024x512xf32>
    %select_n3A_312 = arith.select %eq3A_304, %broadcast_in_dim3A_310, %broadcast_in_dim3A_311 : vector<1024x512xi1>, vector<1024x512xf32>
    %reduce_min3A_313 = arith.constant dense<0x7F800000> : vector<1024xf32>
    %reduce_min3A_314 = vector.multi_reduction <minimumf>, %select_n3A_312, %reduce_min3A_313 [1] : vector<1024x512xf32> to vector<1024xf32>
    %broadcast_in_dim3A_315 = vector.shape_cast %reduce_min3A_314 : vector<1024xf32> to vector<1024x1xf32>
    %get3A_316 = arith.constant 0 : index
    %get3A_317 = arith.constant 6656 : index
    %get3A_318 = vector.load %arg5[%get3A_316, %get3A_317] : memref<1x8192xf32, #tpu.memory_space<vmem>>, vector<1x512xf32>
    %add3A_319 = vector.broadcast %broadcast_in_dim3A : vector<1024x1xf32> to vector<1024x512xf32>
    %add3A_320 = vector.broadcast %get3A_318 : vector<1x512xf32> to vector<1024x512xf32>
    %add3A_321 = arith.addf %add3A_319, %add3A_320 : vector<1024x512xf32>
    %slice3A_322 = vector.extract_strided_slice %dot_general3A_7 {offsets = [0, 6656], sizes = [1024, 512], strides = [1, 1]} : vector<1024x8192xf32> to vector<1024x512xf32>
    %sub3A_323 = arith.subf %add3A_321, %slice3A_322 : vector<1024x512xf32>
    %reduce_min3A_324 = arith.constant dense<0x7F800000> : vector<1024xf32>
    %reduce_min3A_325 = vector.multi_reduction <minimumf>, %sub3A_323, %reduce_min3A_324 [1] : vector<1024x512xf32> to vector<1024xf32>
    %broadcast_in_dim3A_326 = vector.shape_cast %reduce_min3A_325 : vector<1024xf32> to vector<1024x1xf32>
    %eq3A_327 = vector.broadcast %broadcast_in_dim3A_326 : vector<1024x1xf32> to vector<1024x512xf32>
    %eq3A_328 = arith.cmpf oeq, %sub3A_323, %eq3A_327 : vector<1024x512xf32>
    %get3A_329 = arith.constant 0 : index
    %get3A_330 = arith.constant 6656 : index
    %get3A_331 = vector.load %arg6[%get3A_329, %get3A_330] : memref<1x8192xf32, #tpu.memory_space<vmem>>, vector<1x512xf32>
    %jit3A_332 = arith.constant 8.192000e+03 : f32
    %broadcast_in_dim3A_333 = vector.shape_cast %get3A_331 : vector<1x512xf32> to vector<1x512xf32>
    %broadcast_in_dim3A_334 = vector.broadcast %broadcast_in_dim3A_333 : vector<1x512xf32> to vector<1024x512xf32>
    %broadcast_in_dim3A_335 = vector.broadcast %jit3A_332 : f32 to vector<1024x512xf32>
    %select_n3A_336 = arith.select %eq3A_328, %broadcast_in_dim3A_334, %broadcast_in_dim3A_335 : vector<1024x512xi1>, vector<1024x512xf32>
    %reduce_min3A_337 = arith.constant dense<0x7F800000> : vector<1024xf32>
    %reduce_min3A_338 = vector.multi_reduction <minimumf>, %select_n3A_336, %reduce_min3A_337 [1] : vector<1024x512xf32> to vector<1024xf32>
    %broadcast_in_dim3A_339 = vector.shape_cast %reduce_min3A_338 : vector<1024xf32> to vector<1024x1xf32>
    %get3A_340 = arith.constant 0 : index
    %get3A_341 = arith.constant 7168 : index
    %get3A_342 = vector.load %arg5[%get3A_340, %get3A_341] : memref<1x8192xf32, #tpu.memory_space<vmem>>, vector<1x512xf32>
    %add3A_343 = vector.broadcast %broadcast_in_dim3A : vector<1024x1xf32> to vector<1024x512xf32>
    %add3A_344 = vector.broadcast %get3A_342 : vector<1x512xf32> to vector<1024x512xf32>
    %add3A_345 = arith.addf %add3A_343, %add3A_344 : vector<1024x512xf32>
    %slice3A_346 = vector.extract_strided_slice %dot_general3A_7 {offsets = [0, 7168], sizes = [1024, 512], strides = [1, 1]} : vector<1024x8192xf32> to vector<1024x512xf32>
    %sub3A_347 = arith.subf %add3A_345, %slice3A_346 : vector<1024x512xf32>
    %reduce_min3A_348 = arith.constant dense<0x7F800000> : vector<1024xf32>
    %reduce_min3A_349 = vector.multi_reduction <minimumf>, %sub3A_347, %reduce_min3A_348 [1] : vector<1024x512xf32> to vector<1024xf32>
    %broadcast_in_dim3A_350 = vector.shape_cast %reduce_min3A_349 : vector<1024xf32> to vector<1024x1xf32>
    %eq3A_351 = vector.broadcast %broadcast_in_dim3A_350 : vector<1024x1xf32> to vector<1024x512xf32>
    %eq3A_352 = arith.cmpf oeq, %sub3A_347, %eq3A_351 : vector<1024x512xf32>
    %get3A_353 = arith.constant 0 : index
    %get3A_354 = arith.constant 7168 : index
    %get3A_355 = vector.load %arg6[%get3A_353, %get3A_354] : memref<1x8192xf32, #tpu.memory_space<vmem>>, vector<1x512xf32>
    %jit3A_356 = arith.constant 8.192000e+03 : f32
    %broadcast_in_dim3A_357 = vector.shape_cast %get3A_355 : vector<1x512xf32> to vector<1x512xf32>
    %broadcast_in_dim3A_358 = vector.broadcast %broadcast_in_dim3A_357 : vector<1x512xf32> to vector<1024x512xf32>
    %broadcast_in_dim3A_359 = vector.broadcast %jit3A_356 : f32 to vector<1024x512xf32>
    %select_n3A_360 = arith.select %eq3A_352, %broadcast_in_dim3A_358, %broadcast_in_dim3A_359 : vector<1024x512xi1>, vector<1024x512xf32>
    %reduce_min3A_361 = arith.constant dense<0x7F800000> : vector<1024xf32>
    %reduce_min3A_362 = vector.multi_reduction <minimumf>, %select_n3A_360, %reduce_min3A_361 [1] : vector<1024x512xf32> to vector<1024xf32>
    %broadcast_in_dim3A_363 = vector.shape_cast %reduce_min3A_362 : vector<1024xf32> to vector<1024x1xf32>
    %get3A_364 = arith.constant 0 : index
    %get3A_365 = arith.constant 7680 : index
    %get3A_366 = vector.load %arg5[%get3A_364, %get3A_365] : memref<1x8192xf32, #tpu.memory_space<vmem>>, vector<1x512xf32>
    %add3A_367 = vector.broadcast %broadcast_in_dim3A : vector<1024x1xf32> to vector<1024x512xf32>
    %add3A_368 = vector.broadcast %get3A_366 : vector<1x512xf32> to vector<1024x512xf32>
    %add3A_369 = arith.addf %add3A_367, %add3A_368 : vector<1024x512xf32>
    %slice3A_370 = vector.extract_strided_slice %dot_general3A_7 {offsets = [0, 7680], sizes = [1024, 512], strides = [1, 1]} : vector<1024x8192xf32> to vector<1024x512xf32>
    %sub3A_371 = arith.subf %add3A_369, %slice3A_370 : vector<1024x512xf32>
    %reduce_min3A_372 = arith.constant dense<0x7F800000> : vector<1024xf32>
    %reduce_min3A_373 = vector.multi_reduction <minimumf>, %sub3A_371, %reduce_min3A_372 [1] : vector<1024x512xf32> to vector<1024xf32>
    %broadcast_in_dim3A_374 = vector.shape_cast %reduce_min3A_373 : vector<1024xf32> to vector<1024x1xf32>
    %eq3A_375 = vector.broadcast %broadcast_in_dim3A_374 : vector<1024x1xf32> to vector<1024x512xf32>
    %eq3A_376 = arith.cmpf oeq, %sub3A_371, %eq3A_375 : vector<1024x512xf32>
    %get3A_377 = arith.constant 0 : index
    %get3A_378 = arith.constant 7680 : index
    %get3A_379 = vector.load %arg6[%get3A_377, %get3A_378] : memref<1x8192xf32, #tpu.memory_space<vmem>>, vector<1x512xf32>
    %jit3A_380 = arith.constant 8.192000e+03 : f32
    %broadcast_in_dim3A_381 = vector.shape_cast %get3A_379 : vector<1x512xf32> to vector<1x512xf32>
    %broadcast_in_dim3A_382 = vector.broadcast %broadcast_in_dim3A_381 : vector<1x512xf32> to vector<1024x512xf32>
    %broadcast_in_dim3A_383 = vector.broadcast %jit3A_380 : f32 to vector<1024x512xf32>
    %select_n3A_384 = arith.select %eq3A_376, %broadcast_in_dim3A_382, %broadcast_in_dim3A_383 : vector<1024x512xi1>, vector<1024x512xf32>
    %reduce_min3A_385 = arith.constant dense<0x7F800000> : vector<1024xf32>
    %reduce_min3A_386 = vector.multi_reduction <minimumf>, %select_n3A_384, %reduce_min3A_385 [1] : vector<1024x512xf32> to vector<1024xf32>
    %broadcast_in_dim3A_387 = vector.shape_cast %reduce_min3A_386 : vector<1024xf32> to vector<1024x1xf32>
    %concatenate3A = tpu.concatenate %broadcast_in_dim3A_16, %broadcast_in_dim3A_38, %broadcast_in_dim3A_62, %broadcast_in_dim3A_86, %broadcast_in_dim3A_110, %broadcast_in_dim3A_134, %broadcast_in_dim3A_158, %broadcast_in_dim3A_182, %broadcast_in_dim3A_206, %broadcast_in_dim3A_230, %broadcast_in_dim3A_254, %broadcast_in_dim3A_278, %broadcast_in_dim3A_302, %broadcast_in_dim3A_326, %broadcast_in_dim3A_350, %broadcast_in_dim3A_374 in 1 : vector<1024x1xf32>, vector<1024x1xf32>, vector<1024x1xf32>, vector<1024x1xf32>, vector<1024x1xf32>, vector<1024x1xf32>, vector<1024x1xf32>, vector<1024x1xf32>, vector<1024x1xf32>, vector<1024x1xf32>, vector<1024x1xf32>, vector<1024x1xf32>, vector<1024x1xf32>, vector<1024x1xf32>, vector<1024x1xf32>, vector<1024x1xf32> -> vector<1024x16xf32>
    %concatenate3A_388 = tpu.concatenate %broadcast_in_dim3A_27, %broadcast_in_dim3A_51, %broadcast_in_dim3A_75, %broadcast_in_dim3A_99, %broadcast_in_dim3A_123, %broadcast_in_dim3A_147, %broadcast_in_dim3A_171, %broadcast_in_dim3A_195, %broadcast_in_dim3A_219, %broadcast_in_dim3A_243, %broadcast_in_dim3A_267, %broadcast_in_dim3A_291, %broadcast_in_dim3A_315, %broadcast_in_dim3A_339, %broadcast_in_dim3A_363, %broadcast_in_dim3A_387 in 1 : vector<1024x1xf32>, vector<1024x1xf32>, vector<1024x1xf32>, vector<1024x1xf32>, vector<1024x1xf32>, vector<1024x1xf32>, vector<1024x1xf32>, vector<1024x1xf32>, vector<1024x1xf32>, vector<1024x1xf32>, vector<1024x1xf32>, vector<1024x1xf32>, vector<1024x1xf32>, vector<1024x1xf32>, vector<1024x1xf32>, vector<1024x1xf32> -> vector<1024x16xf32>
    %reduce_min3A_389 = arith.constant dense<0x7F800000> : vector<1024xf32>
    %reduce_min3A_390 = vector.multi_reduction <minimumf>, %concatenate3A, %reduce_min3A_389 [1] : vector<1024x16xf32> to vector<1024xf32>
    %broadcast_in_dim3A_391 = vector.shape_cast %reduce_min3A_390 : vector<1024xf32> to vector<1024x1xf32>
    %eq3A_392 = vector.broadcast %broadcast_in_dim3A_391 : vector<1024x1xf32> to vector<1024x16xf32>
    %eq3A_393 = arith.cmpf oeq, %concatenate3A, %eq3A_392 : vector<1024x16xf32>
    %jit3A_394 = arith.constant 8.192000e+03 : f32
    %broadcast_in_dim3A_395 = vector.broadcast %jit3A_394 : f32 to vector<1024x16xf32>
    %select_n3A_396 = arith.select %eq3A_393, %concatenate3A_388, %broadcast_in_dim3A_395 : vector<1024x16xi1>, vector<1024x16xf32>
    %reduce_min3A_397 = arith.constant dense<0x7F800000> : vector<1024xf32>
    %reduce_min3A_398 = vector.multi_reduction <minimumf>, %select_n3A_396, %reduce_min3A_397 [1] : vector<1024x16xf32> to vector<1024xf32>
    %convert_element_type3A_399 = arith.fptosi %reduce_min3A_398 : vector<1024xf32> to vector<1024xi32>
    %swap3A = arith.constant 0 : index
    %swap3A_400 = vector.load %arg3[%swap3A] : memref<1024xi32, #tpu.memory_space<vmem>>, vector<1024xi32>
    tpu.vector_store %arg3[%swap3A], %convert_element_type3A_399 {strides = array<i32>} : memref<1024xi32, #tpu.memory_space<vmem>>, vector<1024xi32>,
    %get3A_401 = arith.constant 0 : index
    %get3A_402 = arith.constant 0 : index
    %get3A_403 = vector.load %arg4[%get3A_401, %get3A_402] : memref<1x1xf32, #tpu.memory_space<vmem>>, vector<1x1xf32>
    %reduce_sum3A_404 = vector.shape_cast %broadcast_in_dim3A_391 : vector<1024x1xf32> to vector<1x1024x1xf32>
    %reduce_sum3A_405 = arith.constant dense<0.000000e+00> : vector<1xf32>
    %reduce_sum3A_406 = vector.multi_reduction <add>, %reduce_sum3A_404, %reduce_sum3A_405 [1, 2] : vector<1x1024x1xf32> to vector<1xf32>
    %reduce_sum3A_407 = vector.shape_cast %reduce_sum3A_406 : vector<1xf32> to vector<1x1x1xf32>
    %reduce_sum3A_408 = vector.extract %reduce_sum3A_407[0, 0, 0] : f32 from vector<1x1x1xf32>
    %broadcast_in_dim3A_409 = vector.broadcast %reduce_sum3A_408 : f32 to vector<1x1xf32>
    %add3A_410 = arith.addf %get3A_403, %broadcast_in_dim3A_409 : vector<1x1xf32>
    %swap3A_411 = arith.constant 0 : index
    %swap3A_412 = arith.constant 0 : index
    %swap3A_413 = vector.load %arg4[%swap3A_411, %swap3A_412] : memref<1x1xf32, #tpu.memory_space<vmem>>, vector<1x1xf32>
    tpu.vector_store %arg4[%swap3A_411, %swap3A_412], %add3A_410 {strides = array<i32>} : memref<1x1xf32, #tpu.memory_space<vmem>>, vector<1x1xf32>,
    return
  }
  func.func @transform_0(%arg0: i32) -> (i32, i32) {
    %c0_i32 = arith.constant 0 : i32
    %c0_i32_0 = arith.constant 0 : i32
    return %arg0, %c0_i32 : i32, i32
  }
  func.func @transform_1(%arg0: i32) -> (i32, i32) {
    %c0_i32 = arith.constant 0 : i32
    %c0_i32_0 = arith.constant 0 : i32
    %c0_i32_1 = arith.constant 0 : i32
    return %c0_i32, %c0_i32_0 : i32, i32
  }
  func.func @transform_2(%arg0: i32) -> i32 {
    %c0_i32 = arith.constant 0 : i32
    return %arg0 : i32
  }
  func.func @transform_3(%arg0: i32) -> (i32, i32) {
    %c0_i32 = arith.constant 0 : i32
    %c0_i32_0 = arith.constant 0 : i32
    %c0_i32_1 = arith.constant 0 : i32
    return %c0_i32, %c0_i32_0 : i32, i32
  }
}

</mosaic_0001>

<sc_bundles>
// kernel: kernel.4.cloned.1.call-start
scs
__scs_entry_jumppad:
0x0: {  	(pc) =	sbr.rel $0x88, $3  }
0x1: {  	(tag) =	ssettag $0x0;
	lr =	simm.s32 $0x1  }
0x2: {  	[smem:$0x3F9F] =	sst lr;
	_ =	strace $0xD0000000  }
0x3: {  	_ = 	snop  }
0x4: {  	_ = 	snop  }
0x5: {  	_ = 	snop  }
0x6: {  	_ = 	snop  }
0x7: {  	_ = 	snop  }
__scs_overlays_trampoline_lowered:
0x8: {  	[smem:$0x3FAE] =	sst s0  }
0x9: {  	[smem:$0x3FAF] =	sst s1  }
0xa: {  	[smem:$0x3FB0] =	sst s2  }
0xb: {  	[smem:$0x3FB1] =	sst s3  }
0xc: {  	[smem:$0x3FB2] =	sst s4  }
0xd: {  	[smem:$0x3FB3] =	sst s5  }
0xe: {  	[smem:$0x3FB4] =	sst s6  }
0xf: {  	[smem:$0x3FB5] =	sst s7  }
0x10: {  	[smem:$0x3FB6] =	sst s8  }
0x11: {  	[smem:$0x3FB7] =	sst s9;
	s0 =	simm.s32 @!p0 $0x0  }
0x12: {  	s1 =	sld [smem:$0x3F9D];
	s0 =	simm.s32 @p0 $0x1  }
0x13: {  	[smem:$0x3FB8] =	sst s0;
	s0 =	simm.s32 @!p1 $0x0  }
0x14: {  	s2 =	sld [smem:$0x3F9C];
	s0 =	simm.s32 @p1 $0x1  }
0x15: {  	[smem:$0x3FB9] =	sst s0;
	s0 =	simm.s32 @!p2 $0x0  }
0x16: {  	s3 =	sld [smem:$0x3FDB];
	s0 =	simm.s32 @p2 $0x1  }
0x17: {  	s4 =	simm.s32 $0x1BF5;
	[smem:$0x3FBB] =	sst s0  }
0x18: {  	s0 =	sld [smem:$0x3F9E];
	_ =	swait.ge [sflag:s4], $0x0  }
0x19: {  	s7 =	sld [smem:$0x3F9F]  }
0x1a: {  	s8 =	sadd.s32 $0xFFFFE003, lr  }
0x1b: {  	s9 =	sadd.s32 $0xFFFFFEF7, lr;
	s5 =	simm.s32 $0xFFFFFFFF;
	p2 =	slt.u32 s8, $0xFFFFF086  }
0x1c: {  	p1 =	slt.u32 s9, $0xF7A;
	s5 =	simm.s32 @!p2 $0x0  }
0x1d: {  	s5 =	simm.s32 @p1 $0x1;
	p0 =	seq.s32 s7, s2  }
0x1e: {  	s7 =	smul.u32 @!p0 $0xF7A, s2;
	p2 =	seq.s32 @!p0 s5, $0x0  }
0x1f: {  	s9 =	smul.u32 $0xF7A, s1;
	s8 =	simm.s32 @!p0 $0x1BF5;
	p2 =	por !p2, p0  }
0x20: {  	[sflag:s8] =	ssyncset.s32 @!p0 $0xFFFFF086;
	s6 =	sadd.s32 @!p0 s3, s7;
	s7 =	simm.s32 @!p0 $0x108  }
0x21: {  	s3 =	sadd.s32 s3, s9;
	s6 =	sadd.s32 @!p0 $0x88, s6;
	s7 =	simm.s32 @p2 $0x1082  }
0x22: {  	[simem:s7], [sflag:s8] =	dma.local @!p0 [hbm:s6], $0xF7A  }
0x23: {  	s9 =	sor.u32 $0xD0000000, s2;
	s6 =	simm.s32 $0x108;
	_ =	swait.ge @!p0 [sflag:s8], $0x0  }
0x24: {  	s3 =	sadd.s32 $0x88, s3;
	s6 =	simm.s32 @!p1 $0x1082;
	[sflag:s4] =	ssyncset.s32 $0xFFFFF086  }
0x25: {  	[simem:s6], [sflag:s4] =	dma.local [hbm:s3], $0xF7A  }
0x26: {  	[smem:$0x3F9F] =	sst s1;
	(tag) =	ssettag s2;
	_ =	strace s9  }
0x27: {  	s1 =	sld [smem:$0x3FAF]  }
0x28: {  	s2 =	sld [smem:$0x3FB0]  }
0x29: {  	s4 =	sld [smem:$0x3FB2]  }
0x2a: {  	p0 =	seq.s32 s5, $0x0;
	s5 =	sld [smem:$0x3FB3]  }
0x2b: {  	s6 =	sld [smem:$0x3FB4]  }
0x2c: {  	s7 =	sld [smem:$0x3FB5]  }
0x2d: {  	s3 =	simm.s32 $0x108;
	s8 =	sld [smem:$0x3FB6]  }
0x2e: {  	s3 =	simm.s32 @!p0 $0x1082;
	s9 =	sld [smem:$0x3FB7]  }
0x2f: {  	lr =	sadd.s32 s0, s3;
	s0 =	sld [smem:$0x3FAE]  }
0x30: {  	s3 =	sld [smem:$0x3FB1]  }
0x31: {  	[smem:$0x3FBA] =	sst s10  }
0x32: {  	s10 =	sld [smem:$0x3FB8];
	_ =	sdelay $0x3  }
0x33: {  	p0 =	seq.s32 s10, $0x1;
	s10 =	sld [smem:$0x3FBA];
	_ =	sdelay $0x3  }
0x34: {  	[smem:$0x3FBA] =	sst s10  }
0x35: {  	s10 =	sld [smem:$0x3FB9];
	_ =	sdelay $0x3  }
0x36: {  	p1 =	seq.s32 s10, $0x1;
	s10 =	sld [smem:$0x3FBA];
	_ =	sdelay $0x3  }
0x37: {  	[smem:$0x3FBA] =	sst s10  }
0x38: {  	s10 =	sld [smem:$0x3FBB]  }
0x39: {  	_ = 	snop;
	(pc) =	sbr.ind lr, $3  }
0x3a: {  	_ = 	snop  }
0x3b: {  	_ = 	snop  }
0x3c: {  	p2 =	seq.s32 s10, $0x1;
	s10 =	sld [smem:$0x3FBA]  }
0x3d: {  	_ =	shalt  }
0x3e: {  	_ =	shalt  }
0x3f: {  	_ =	shalt  }
0x40: {  	_ =	shalt  }
0x41: {  	_ =	shalt  }
0x42: {  	_ =	shalt  }
0x43: {  	_ =	shalt  }
0x44: {  	_ =	shalt  }
0x45: {  	_ =	shalt  }
0x46: {  	_ =	shalt  }
0x47: {  	_ =	shalt  }
0x48: {  	_ =	shalt  }
0x49: {  	_ =	shalt  }
0x4a: {  	_ =	shalt  }
0x4b: {  	_ =	shalt  }
0x4c: {  	_ =	shalt  }
0x4d: {  	_ =	shalt  }
0x4e: {  	_ =	shalt  }
0x4f: {  	_ =	shalt  }
0x50: {  	_ =	shalt  }
0x51: {  	_ =	shalt  }
0x52: {  	_ =	shalt  }
0x53: {  	_ =	shalt  }
0x54: {  	_ =	shalt  }
0x55: {  	_ =	shalt  }
0x56: {  	_ =	shalt  }
0x57: {  	_ =	shalt  }
0x58: {  	_ =	shalt  }
0x59: {  	_ =	shalt  }
0x5a: {  	_ =	shalt  }
0x5b: {  	_ =	shalt  }
0x5c: {  	_ =	shalt  }
0x5d: {  	_ =	shalt  }
0x5e: {  	_ =	shalt  }
0x5f: {  	_ =	shalt  }
0x60: {  	_ =	shalt  }
0x61: {  	_ =	shalt  }
0x62: {  	_ =	shalt  }
0x63: {  	_ =	shalt  }
0x64: {  	_ =	shalt  }
0x65: {  	_ =	shalt  }
0x66: {  	_ =	shalt  }
0x67: {  	_ =	shalt  }
0x68: {  	_ =	shalt  }
0x69: {  	_ =	shalt  }
0x6a: {  	_ =	shalt  }
0x6b: {  	_ =	shalt  }
0x6c: {  	_ =	shalt  }
0x6d: {  	_ =	shalt  }
0x6e: {  	_ =	shalt  }
0x6f: {  	_ =	shalt  }
0x70: {  	_ =	shalt  }
0x71: {  	_ =	shalt  }
0x72: {  	_ =	shalt  }
0x73: {  	_ =	shalt  }
0x74: {  	_ =	shalt  }
0x75: {  	_ =	shalt  }
0x76: {  	_ =	shalt  }
0x77: {  	_ =	shalt  }
0x78: {  	_ =	shalt  }
0x79: {  	_ =	shalt  }
0x7a: {  	_ =	shalt  }
0x7b: {  	_ =	shalt  }
0x7c: {  	_ =	shalt  }
0x7d: {  	_ =	shalt  }
0x7e: {  	_ =	shalt  }
0x7f: {  	_ =	shalt  }
0x80: {  	_ =	shalt  }
0x81: {  	_ =	shalt  }
0x82: {  	_ =	shalt  }
0x83: {  	_ =	shalt  }
0x84: {  	_ =	shalt  }
0x85: {  	_ =	shalt  }
0x86: {  	_ =	shalt  }
0x87: {  	_ =	shalt  }
.Lfunc_end0:
.L_simem_size_0:
called_computation_lowered:
.L_overlay_start_0:
0x88: {  	s2 =	sld [smem:$0x3FD9]  }
0x89: {  	s3 =	sld [smem:$0x3FFE];
	_ =	sdelay $0x1  }
0x8a: {  	s1 =	srdreg.scid  }
0x8b: {  	s0 =	sand.u32 $0x1, s1  }
0x8c: {  	s14 =	sshll.u32 s0, $0xA;
	s2 =	sadd.s32 s3, s2  }
0x8d: {  	s2 =	sadd.s32 s2, s14  }
0x8e: {  	[smem:$0x3FC6] =	sst s2  }
0x8f: {  	_ = 	snop  }
0x90: {  	s2 =	sld [smem:$0x3FD0];
	_ =	sdelay $0x2  }
0x91: {  	s15 =	simm.s32 $0xA;
	s4 =	simm.s32 $0x10  }
0x92: {  	[smem:s4], [sflag:s15] =	dma.local [hbm:s2], $0x1  }
0x93: {  	_ =	swait.eq [sflag:s15], $0x1  }
0x94: {  	[sflag:s15] =	ssyncset.done $0x0  }
0x95: {  	[sflag:s15] =	ssyncadd.s32 $0xFFFFFFFF  }
0x96: {  	s16 =	sld [smem:$0x10];
	(tm) =	ssettm $0x1  }
0x97: {  	s17 =	sld [smem:$0x3FFB];
	_ =	sdelay $0x3  }
0x98: {  	_ =	strace s17  }
0x99: {  	s3 =	sld [smem:$0x3FFC];
	_ =	sdelay $0x3  }
0x9a: {  	_ =	strace s3  }
0x9b: {  	s3 =	sld [smem:$0x3FFD];
	_ =	sdelay $0x3  }
0x9c: {  	_ =	strace s3  }
0x9d: {  	_ =	strace $0x8FFFFFFF  }
0x9e: {  	s18 =	sld [smem:$0x3FDB];
	_ =	sdelay $0x1  }
0x9f: {  	s19 =	simm.s32 $_scs_section_size  }
0xa0: {  	s5 =	simm.s32 $_size__tile_overlayer_lowered;
	s6 =	simm.s32 $_tile_overlayer_lowered  }
0xa1: {  	s22 =	simm.s32 $0x1BFF;
	s21 =	sshll.u32 s6, $0x1;
	s3 =	sadd.s32 s19, s18  }
0xa2: {  	s7 =	simm.s32 $0x0;
	s20 =	sshll.u32 s5, $0x1;
	s5 =	sadd.s32 s21, s3  }
0xa3: {  	[timem:s7], [sflag:s22] =	dma.local [hbm:s5], s20  }
0xa4: {  	_ =	swait.ge [sflag:s22], s20  }
0xa5: {  	s4 =	ssub.s32 $0x0, s20;
	[sflag:s22] =	ssyncset.done $0x0  }
0xa6: {  	[sflag:s22] =	ssyncadd.s32 s4;
	_ =	sdelay $0x1  }
0xa7: {  	s23 =	simm.s32 $0x1B8B  }
0xa8: {  	_ =	swait.ge [sflag:s23], $0x1  }
0xa9: {  	[sflag:s23] =	ssyncset.done $0x0  }
0xaa: {  	s25 =	simm.s32 $0x1B8E;
	s24 =	sld [smem:$0x3FFE];
	[sflag:s23] =	ssyncadd.s32 $0xFFFFFFFF  }
0xab: {  	s26 =	simm.s32 $execute0_lowered;
	[smem:$0x3FD2] =	sst s25  }
0xac: {  	s5 =	sshll.u32 s26, $0x1;
	_ =	strace $0x80000046;
	[dreg:$0x1] =	wrdreg $0xFFFFFFFF  }
0xad: {  	s28 =	simm.s32 $_size_execute0_lowered;
	s3 =	sadd.s32 s3, s5;
	[dreg:$0x0] =	wrdreg $0x0  }
0xae: {  	s5 =	sshll.u32 s28, $0x1;
	[dreg:$0x2] =	wrdreg s3  }
0xaf: {  	[dreg:$0x3] =	wrdreg s5  }
0xb0: {  	[dreg:$0x4] =	wrdreg $0xC0  }
0xb1: {  	_ =	task [dreg:s7], $0x5FFFF  }
0xb2: {  	[dreg:$0x1] =	wrdreg $0xFFFFFFFF  }
0xb3: {  	[dreg:$0x0] =	wrdreg $0x60  }
0xb4: {  	[dreg:$0x2] =	wrdreg s24  }
0xb5: {  	[dreg:$0x3] =	wrdreg s16  }
0xb6: {  	[dreg:$0x4] =	wrdreg $0x9  }
0xb7: {  	_ =	task.clear_ibuf [dreg:s7], $0x5FFFF;
	_ =	strace $0x90000046  }
0xb8: {  	s29 =	simm.s32 $0x9;
	_ =	strace $0x80000048  }
0xb9: {  	_ =	swait.ge [sflag:s29], $0x1  }
0xba: {  	[sflag:s29] =	ssyncadd.s32 $0xFFFFFFFF  }
0xbb: {  	_ =	strace $0x90000048  }
0xbc: {  	_ =	sfence  }
0xbd: {  	s30 =	sld [smem:$0x0];
	_ =	sdelay $0x2  }
0xbe: {  	s31 =	sshll.u32 s1, $0xD;
	s1 =	sshrl.u32 s1, $0x2  }
0xbf: {  	s3 =	sand.u32 $0x4000, s31;
	s1 =	sadd.s32 s1, s30  }
0xc0: {  	s0 =	sor.u32 s3, s0;
	s1 =	sshll.u32 s1, $0x11  }
0xc1: {  	s0 =	sor.u32 s1, s0  }
0xc2: {  	s0 =	sadd.s32 $0x8F2B, s0  }
0xc3: {  	[sflag:s0] =	ssyncadd.remote.s32 $0x1  }
0xc4: {  	_ =	sfence.sel $0xFFFF  }
0xc5: {  	[dreg:$0x0] =	wrdreg $0xFFFFFFFF;
	(pc) =	sbr.abs _section_cstart, $3  }
0xc6: {  	[dreg:$0x1] =	wrdreg $0xFFFFFFFF  }
0xc7: {  	_ =	task.clear_ibuf [dreg:s7], $0x2FFFF;
	_ =	strace $0x9FFFFFFF  }
0xc8: {  	(tm) =	ssettm $0x7FFFFFFF  }
0xc9: {  	_ =	shalt  }
tec
execute0_lowered:
.L_overlay_start_1:
0x0: {  	(tag) =	ssettag $0x1  }
0x1: {  	s1 =	srdreg.scid;
	s0 =	stileid.u32  }
0x2: {  	s5 =	rddreg [dreg:$0x0];
	s14 =	sand.u32 $0x1, s1;
	s29 =	sshll.u32 s0, $0x1  }
0x3: {  	s15 =	rddreg [dreg:$0x1];
	s16 =	sor.u32 s14, s29  }
0x4: {  	s2 =	simm.s32 $0x0;
	s1 =	rddreg [dreg:$0x2];
	s3 =	sshll.u32 s16, $0x6  }
0x5: {  	[smem:$0x7FF] =	sst s2;
	s3 =	sadd.s32 s3, s5  }
0x6: {  	_ =	strace $0x80000047;
	s4 =	sadd.s32 $0x8C00, s3;
	s3 =	simm.s32 $0x2  }
0x7: {  	[tilespmem:s2], [sflag:$0x2] =	stream.linear.gather [hbm4b:s4+s2], $0x200, $0x38;
	[tilespmem:$0x4200] =	vst v63  }
0x8: {  	_ =	swait.ge [sflag:s3], $0x200  }
0x9: {  	s6 =	simm.s32 $0x80;
	[sflag:s3] =	ssyncset.done $0x0  }
0xa: {  	s7 =	simm.s32 $0x200;
	s5 =	sadd.s32 $0xC00, s5;
	[sflag:s3] =	ssyncadd.s32 $0xFFFFFE00  }
0xb: {  	[tilespmem:s7], [sflag:$0x1] =	stream.indirect.gather [hbm4b:s5+s6], $0x20, s2, s6, $0xb8;
	[tilespmem:$0x4200] =	vst v63  }
0xc: {  	s8 =	simm.s32 $0x1200  }
0xd: {  	[tilespmem:s8], [sflag:$0x1] =	stream.indirect.gather [hbm4b:s5+s6], $0x20, s6, s6, $0xb8;
	[tilespmem:$0x4200] =	vst v63  }
0xe: {  	s9 =	simm.s32 $0x100;
	s10 =	simm.s32 $0x2200  }
0xf: {  	[tilespmem:s10], [sflag:$0x1] =	stream.indirect.gather [hbm4b:s5+s6], $0x20, s9, s6, $0xb8;
	[tilespmem:$0x4200] =	vst v63  }
0x10: {  	s11 =	simm.s32 $0x1;
	s12 =	simm.s32 $0x180;
	s13 =	simm.s32 $0x3200  }
0x11: {  	[tilespmem:s13], [sflag:$0x1] =	stream.indirect.gather [hbm4b:s5+s6], $0x20, s12, s6, $0xb8;
	[tilespmem:$0x4200] =	vst v63  }
0x12: {  	_ =	swait.ge [sflag:s11], $0x1000  }
0x13: {  	p1 =	seq.s32 s14, $0x1;
	p0 =	seq.s32 s16, $0x0;
	[sflag:s11] =	ssyncset.done $0x0  }
0x14: {  	p0 =	por !p0, !p1;
	[sflag:s11] =	ssyncadd.s32 $0xFFFFF000  }
0x15: {  	s16 =	simm.s32 $0x1;
	p0 =	por !p0, !p0;
	_ =	swait.ge [sflag:s11], $0x1000  }
0x16: {  	s17 =	ssub.s32 $0x2, s14;
	s16 =	simm.s32 @!p0 $0x0;
	[sflag:s11] =	ssyncset.done $0x0  }
0x17: {  	s14 =	sshll.u32 s14, $0xE;
	s16 =	ssub.s32 s0, s16;
	[sflag:s11] =	ssyncadd.s32 $0xFFFFF000  }
0x18: {  	s30 =	sshrl.u32 s17, $0x1;
	s16 =	sshll.u32 s16, $0xF;
	_ =	swait.ge [sflag:s11], $0x1000  }
0x19: {  	s14 =	sor.u32 s14, s16;
	s16 =	ssub.s32 s17, s30;
	[sflag:s11] =	ssyncset.done $0x0  }
0x1a: {  	s31 =	smax.u32 s16, $0x1;
	[sflag:s11] =	ssyncadd.s32 $0xFFFFF000  }
0x1b: {  	p0 =	sne.s32 s31, $0x1;
	_ =	swait.ge [sflag:s11], $0x1000  }
.Ltmp0:
0x1c: {  	s14 =	sshrl.u32 s14, $0x3;
	[sflag:s11] =	ssyncset.done $0x0;
	(pc) =	sbr.rel @!p0 .LBB2_2-.Ltmp0, $4  }
0x1d: {  	s14 =	sadd.s32 s15, s14;
	[sflag:s11] =	ssyncadd.s32 $0xFFFFF000  }
0x1e: {  	[hbm4b:s14+s2] =	stream.linear.scatter [tilespmem:s7], [sflag:$0x2], $0x4000, $0x38;
	[tilespmem:$0x4200] =	vst v63  }
0x1f: {  	_ =	swait.ge [sflag:s3], $0x4000  }
0x20: {  	s15 =	sadd.s32 $0xFFFFFFFF, s31;
	[sflag:s3] =	ssyncset.done $0x0  }
.LBB2_1:
0x21: {  	p0 =	sne.s32 s15, $0x1;
	s15 =	sadd.s32 $0xFFFFFFFF, s15;
	[sflag:s3] =	ssyncadd.s32 $0xFFFFC000  }
0x22: {  	[tilespmem:s2], [sflag:$0x2] =	stream.linear.gather [hbm4b:s4+s2], $0x200, $0x38;
	[tilespmem:$0x4200] =	vst v63  }
0x23: {  	_ =	swait.ge [sflag:s3], $0x200  }
0x24: {  	[sflag:s3] =	ssyncset.done $0x0  }
0x25: {  	[sflag:s3] =	ssyncadd.s32 $0xFFFFFE00  }
0x26: {  	[tilespmem:s7], [sflag:$0x1] =	stream.indirect.gather [hbm4b:s5+s6], $0x20, s2, s6, $0xb8;
	[tilespmem:$0x4200] =	vst v63  }
0x27: {  	_ = 	snop  }
0x28: {  	[tilespmem:s8], [sflag:$0x1] =	stream.indirect.gather [hbm4b:s5+s6], $0x20, s6, s6, $0xb8;
	[tilespmem:$0x4200] =	vst v63  }
0x29: {  	_ = 	snop  }
0x2a: {  	[tilespmem:s10], [sflag:$0x1] =	stream.indirect.gather [hbm4b:s5+s6], $0x20, s9, s6, $0xb8;
	[tilespmem:$0x4200] =	vst v63  }
0x2b: {  	_ = 	snop  }
0x2c: {  	[tilespmem:s13], [sflag:$0x1] =	stream.indirect.gather [hbm4b:s5+s6], $0x20, s12, s6, $0xb8;
	[tilespmem:$0x4200] =	vst v63  }
0x2d: {  	_ =	swait.ge [sflag:s11], $0x1000  }
0x2e: {  	[sflag:s11] =	ssyncset.done $0x0  }
0x2f: {  	[sflag:s11] =	ssyncadd.s32 $0xFFFFF000  }
0x30: {  	_ =	swait.ge [sflag:s11], $0x1000  }
0x31: {  	[sflag:s11] =	ssyncset.done $0x0  }
0x32: {  	[sflag:s11] =	ssyncadd.s32 $0xFFFFF000  }
0x33: {  	_ =	swait.ge [sflag:s11], $0x1000  }
0x34: {  	[sflag:s11] =	ssyncset.done $0x0  }
0x35: {  	[sflag:s11] =	ssyncadd.s32 $0xFFFFF000  }
0x36: {  	_ =	swait.ge [sflag:s11], $0x1000  }
.Ltmp1:
0x37: {  	[sflag:s11] =	ssyncset.done $0x0;
	(pc) =	sbr.rel @p0 .LBB2_1-.Ltmp1, $4  }
0x38: {  	[sflag:s11] =	ssyncadd.s32 $0xFFFFF000  }
0x39: {  	[hbm4b:s14+s2] =	stream.linear.scatter [tilespmem:s7], [sflag:$0x2], $0x4000, $0x38;
	[tilespmem:$0x4200] =	vst v63  }
0x3a: {  	_ =	swait.ge [sflag:s3], $0x4000  }
0x3b: {  	[sflag:s3] =	ssyncset.done $0x0  }
.LBB2_2:
0x3c: {  	[sflag:s3] =	ssyncadd.s32 $0xFFFFC000  }
0x3d: {  	_ =	sfence.sel $0x180000  }
0x3e: {  	[bflag:$0x0] =	sbarrier.arrive $0xFFFF  }
0x3f: {  	p0 =	sne.s32 s0, $0x0;
	_ =	strace $0x90000047  }
0x40: {  	s0 =	sadd.s32 @!p0 $0x100000, s1;
	[bflag:$0x2] =	sbarrier.arrive $0xFFFF  }
0x41: {  	[sflag:s0] =	ssyncadd.tile.s32 @!p0 $0x1;
	_ =	shalt  }
.Lfunc_end2:
_tile_overlayer_lowered:
.L_overlay_start_2:
0x42: {  	(tag) =	ssettag $0x2  }
0x43: {  	s0 =	rddreg [dreg:$0x0];
	s2 =	stileid.u32  }
0x44: {  	s1 =	rddreg [dreg:$0x1];
	p0 =	sne.s32 s2, $0x0  }
0x45: {  	s3 =	rddreg [dreg:$0x2];
	[bflag:$0x3] =	sbarrier.arrive $0xFFFF;
	s2 =	simm.s32 @!p0 $0x1C02  }
0x46: {  	[timem:s3], [sflag:s2] =	dma.local @!p0 [hbm:s0], s1  }
0x47: {  	s0 =	simm.s32 @!p0 $0x2  }
0x48: {  	_ =	swait.ge @!p0 [sflag:s0], s1  }
0x49: {  	s1 =	ssub.s32 @!p0 $0x0, s1;
	[sflag:s0] =	ssyncset.done @!p0 $0x0  }
0x4a: {  	[sflag:s0] =	ssyncadd.s32 @!p0 s1  }
0x4b: {  	[bflag:$0x3] =	sbarrier.arrive $0xFFFF  }
0x4c: {  	_ =	shalt  }

</sc_bundles>
